<compile_context>
chip_gen: v7x
topology: tpu7x:2x2x1
jax: 0.10.2.dev20260603
libtpu: 0.0.44.dev20260713+nightly
codegen_flags: <defaults>
</compile_context>

<pallas_src>
import functools

import jax
import jax.numpy as jnp
from jax import lax
from jax.experimental import pallas as pl
from jax.experimental.pallas import tpu as pltpu
from jax.experimental.pallas import tpu_sc as plsc

BATCH = 16384
FIELDS = 4
EMBED = 64
ROWS = FIELDS * EMBED
RT = ROWS // 8
CT = BATCH // 128
NC = 2
NS = 16
NW = NC * NS
CT_PER_W = CT // NW


def _sc_body(y_hbm, f_hbm, b_hbm, out_hbm,
             ybuf0, ybuf1, fbuf0, fbuf1, obuf0, obuf1, bbuf,
             ysem0, ysem1, fsem0, fsem1, osem0, osem1):
    wid = lax.axis_index("s") * NC + lax.axis_index("c")
    ybufs = (ybuf0, ybuf1)
    fbufs = (fbuf0, fbuf1)
    obufs = (obuf0, obuf1)
    ysems = (ysem0, ysem1)
    fsems = (fsem0, fsem1)
    osems = (osem0, osem1)
    pltpu.sync_copy(b_hbm, bbuf)

    def start_in(t0):
        tc = wid * CT_PER_W + t0
        p = t0 % 2
        cy = pltpu.make_async_copy(y_hbm.at[:, tc], ybufs[p], ysems[p])
        cf = pltpu.make_async_copy(f_hbm.at[tc], fbufs[p], fsems[p])
        cy.start()
        cf.start()
        return cy, cf

    pend = start_in(0)
    out_pend = [None, None]
    for t0 in range(CT_PER_W):
        tc = wid * CT_PER_W + t0
        p = t0 % 2
        nxt = start_in(t0 + 1) if t0 + 1 < CT_PER_W else None
        cy, cf = pend
        cy.wait()
        cf.wait()
        ybuf, fbuf, obuf = ybufs[p], fbufs[p], obufs[p]
        if out_pend[p] is not None:
            out_pend[p].wait()
            out_pend[p] = None

        def g_body(g, carry, ybuf=ybuf, fbuf=fbuf, obuf=obuf):
            sl = pl.ds(g * 16, 16)
            acc = (fbuf[0, sl] + fbuf[1, sl]) + (fbuf[2, sl] + fbuf[3, sl])
            acc = acc + bbuf[...]
            acc = acc + ybuf[0, 0, sl]
            obuf[sl] = acc
            return carry

        lax.fori_loop(0, 8, g_body, 0)
        co = pltpu.make_async_copy(obuf, out_hbm.at[pl.ds(tc * 128, 128)], osems[p])
        co.start()
        out_pend[p] = co
        pend = nxt
    for co in out_pend:
        if co is not None:
            co.wait()


@functools.partial(
    pl.kernel,
    out_type=jax.ShapeDtypeStruct((BATCH,), jnp.float32),
    mesh=plsc.VectorSubcoreMesh(core_axis_name="c", subcore_axis_name="s"),
    scratch_types=[
        pltpu.VMEM((RT, 8, 128), jnp.float32),
        pltpu.VMEM((RT, 8, 128), jnp.float32),
        pltpu.VMEM((FIELDS, 128), jnp.float32),
        pltpu.VMEM((FIELDS, 128), jnp.float32),
        pltpu.VMEM((128,), jnp.float32),
        pltpu.VMEM((128,), jnp.float32),
        pltpu.VMEM((16,), jnp.float32),
        pltpu.SemaphoreType.DMA,
        pltpu.SemaphoreType.DMA,
        pltpu.SemaphoreType.DMA,
        pltpu.SemaphoreType.DMA,
        pltpu.SemaphoreType.DMA,
        pltpu.SemaphoreType.DMA,
    ],
)
def _sc_fm(y_hbm, f_hbm, b_hbm, out_hbm, *scratch):
    _sc_body(y_hbm, f_hbm, b_hbm, out_hbm, *scratch)


def kernel(first_embeddings, second_embeddings, bias):
    xt = jnp.transpose(second_embeddings, (1, 2, 0)).reshape(ROWS, BATCH)
    y4 = jnp.transpose(xt.reshape(RT, 8, CT, 128), (0, 2, 1, 3))
    ft = jnp.transpose(first_embeddings, (1, 0))
    f3 = jnp.transpose(ft.reshape(FIELDS, CT, 128), (1, 0, 2))
    b16 = jnp.broadcast_to(bias, (16,))
    return _sc_fm(y4, f3, b16)

# --- scband reference (transcript-rebuilt; emitter-appended) ---
"""Pipeline reference for scband-factorization-machine-3367254360243 (READ-ONLY COPY).

The authoritative reference and input builder live on the scoring server;
editing this copy changes nothing except your own understanding.
"""

import jax, jax.numpy as jnp
import numpy as np

BATCH = 16384
FIELDS = 4
EMBED = 64

def setup_inputs(seed: int = 0) -> dict:
    key = jax.random.key(seed)
    k1, k2 = jax.random.split(key, 2)
    first_embeddings = jax.random.normal(k1, (BATCH, FIELDS), dtype=jnp.float32)
    second_embeddings = jax.random.normal(k2, (BATCH, FIELDS, EMBED), dtype=jnp.float32)
    bias = jnp.zeros((1,), dtype=jnp.float32)
    return {"first_embeddings": first_embeddings, "second_embeddings": second_embeddings, "bias": bias}

def reference(first_embeddings, second_embeddings, bias):
    # first order term: sum over fields
    first_term = jnp.sum(first_embeddings, axis=1)
    # second order FM interaction term
    square_of_sum = jnp.sum(second_embeddings, axis=1) ** 2
    sum_of_square = jnp.sum(second_embeddings ** 2, axis=1)
    second_term = 0.5 * jnp.sum(square_of_sum - sum_of_square, axis=1)
    return bias + first_term + second_term

if __name__ == "__main__":
    import jax
    _d = setup_inputs()
    print(jax.jit(kernel)(*tuple(_d.values())))

</pallas_src>

<mosaic_0001>
#map = affine_map<(d0, d1) -> (0, 0, 0, 0)>
#map1 = affine_map<(d0, d1) -> (0, 0, 0)>
#map2 = affine_map<(d0, d1) -> (0)>
module attributes {stable_mosaic.version = 14 : i64} {
  func.func @_sc_fm(%arg0: i32, %arg1: i32, %arg2: memref<32x128x8x128xf32, #tpu.memory_space<hbm>>, %arg3: memref<128x4x128xf32, #tpu.memory_space<hbm>>, %arg4: memref<16xf32, #tpu.memory_space<hbm>>, %arg5: memref<16384xf32, #tpu.memory_space<hbm>>, %arg6: memref<32x8x128xf32, #tpu.memory_space<vmem>>, %arg7: memref<32x8x128xf32, #tpu.memory_space<vmem>>, %arg8: memref<4x128xf32, #tpu.memory_space<vmem>>, %arg9: memref<4x128xf32, #tpu.memory_space<vmem>>, %arg10: memref<128xf32, #tpu.memory_space<vmem>>, %arg11: memref<128xf32, #tpu.memory_space<vmem>>, %arg12: memref<16xf32, #tpu.memory_space<vmem>>, %arg13: memref<!tpu.dma_semaphore, #tpu.memory_space<semaphore_mem>>, %arg14: memref<!tpu.dma_semaphore, #tpu.memory_space<semaphore_mem>>, %arg15: memref<!tpu.dma_semaphore, #tpu.memory_space<semaphore_mem>>, %arg16: memref<!tpu.dma_semaphore, #tpu.memory_space<semaphore_mem>>, %arg17: memref<!tpu.dma_semaphore, #tpu.memory_space<semaphore_mem>>, %arg18: memref<!tpu.dma_semaphore, #tpu.memory_space<semaphore_mem>>) attributes {dimension_semantics = [#tpu.dimension_semantics<core_parallel>, #tpu.dimension_semantics<subcore_parallel>], iteration_bounds = array<i64: 2, 16>, scalar_prefetch = 0 : i64, scratch_operands = 13 : i64, tpu.core_type = #tpu.core_type<sc_vector_subcore>, window_params = [{transform_indices = #map}, {transform_indices = #map1}, {transform_indices = #map2}, {transform_indices = #map2}]} {
    %mul3A = arith.constant 2 : i32
    %mul3A_0 = arith.muli %arg1, %mul3A : i32
    %add3A = arith.addi %mul3A_0, %arg0 : i32
    "tpu.region"() ({
      %run_scoped3A = tpu.sem_alloc : memref<!tpu.dma_semaphore, #tpu.memory_space<semaphore_mem>>
      tpu.enqueue_dma source(%arg4 : memref<16xf32, #tpu.memory_space<hbm>>) target(%arg12 : memref<16xf32, #tpu.memory_space<vmem>>) target_semaphore(%run_scoped3A : memref<!tpu.dma_semaphore, #tpu.memory_space<semaphore_mem>>)
      tpu.wait_dma2 semaphore(%run_scoped3A : memref<!tpu.dma_semaphore, #tpu.memory_space<semaphore_mem>>) src(%arg4 : memref<16xf32, #tpu.memory_space<hbm>>) dst(%arg12 : memref<16xf32, #tpu.memory_space<vmem>>)
      tpu.yield
    }) : () -> ()
    %mul3A_1 = arith.constant 4 : i32
    %mul3A_2 = arith.muli %add3A, %mul3A_1 : i32
    %add3A_3 = arith.constant 0 : i32
    %add3A_4 = arith.addi %mul3A_2, %add3A_3 : i32
    %dma_start3A = arith.constant 0 : i32
    %dma_start3A_5 = arith.constant 0 : i32
    %dma_start3A_6 = arith.constant 0 : i32
    %dma_start3A_7 = tpu.memref_slice %arg2[%dma_start3A, %add3A_4, %dma_start3A_5, %dma_start3A_6] : memref<32x128x8x128xf32, #tpu.memory_space<hbm>> -> memref<32x1x8x128xf32, #tpu.memory_space<hbm>>
    %dma_start3A_8 = tpu.memref_squeeze %dma_start3A_7 : memref<32x1x8x128xf32, #tpu.memory_space<hbm>> -> memref<32x8x128xf32, #tpu.memory_space<hbm>>
    %dma_start3A_9 = arith.constant 0 : i32
    %dma_start3A_10 = arith.constant 0 : i32
    %dma_start3A_11 = arith.constant 0 : i32
    %dma_start3A_12 = tpu.memref_slice %arg2[%dma_start3A_9, %add3A_4, %dma_start3A_10, %dma_start3A_11] : memref<32x128x8x128xf32, #tpu.memory_space<hbm>> -> memref<32x1x8x128xf32, #tpu.memory_space<hbm>>
    %dma_start3A_13 = tpu.memref_squeeze %dma_start3A_12 : memref<32x1x8x128xf32, #tpu.memory_space<hbm>> -> memref<32x8x128xf32, #tpu.memory_space<hbm>>
    tpu.enqueue_dma source(%dma_start3A_13 : memref<32x8x128xf32, #tpu.memory_space<hbm>>) target(%arg6 : memref<32x8x128xf32, #tpu.memory_space<vmem>>) target_semaphore(%arg13 : memref<!tpu.dma_semaphore, #tpu.memory_space<semaphore_mem>>)
    %dma_start3A_14 = arith.constant 0 : i32
    %dma_start3A_15 = arith.constant 0 : i32
    %dma_start3A_16 = tpu.memref_slice %arg3[%add3A_4, %dma_start3A_14, %dma_start3A_15] : memref<128x4x128xf32, #tpu.memory_space<hbm>> -> memref<1x4x128xf32, #tpu.memory_space<hbm>>
    %dma_start3A_17 = tpu.memref_squeeze %dma_start3A_16 : memref<1x4x128xf32, #tpu.memory_space<hbm>> -> memref<4x128xf32, #tpu.memory_space<hbm>>
    %dma_start3A_18 = arith.constant 0 : i32
    %dma_start3A_19 = arith.constant 0 : i32
    %dma_start3A_20 = tpu.memref_slice %arg3[%add3A_4, %dma_start3A_18, %dma_start3A_19] : memref<128x4x128xf32, #tpu.memory_space<hbm>> -> memref<1x4x128xf32, #tpu.memory_space<hbm>>
    %dma_start3A_21 = tpu.memref_squeeze %dma_start3A_20 : memref<1x4x128xf32, #tpu.memory_space<hbm>> -> memref<4x128xf32, #tpu.memory_space<hbm>>
    tpu.enqueue_dma source(%dma_start3A_21 : memref<4x128xf32, #tpu.memory_space<hbm>>) target(%arg8 : memref<4x128xf32, #tpu.memory_space<vmem>>) target_semaphore(%arg15 : memref<!tpu.dma_semaphore, #tpu.memory_space<semaphore_mem>>)
    %mul3A_22 = arith.constant 4 : i32
    %mul3A_23 = arith.muli %add3A, %mul3A_22 : i32
    %add3A_24 = arith.constant 0 : i32
    %add3A_25 = arith.addi %mul3A_23, %add3A_24 : i32
    %mul3A_26 = arith.constant 4 : i32
    %mul3A_27 = arith.muli %add3A, %mul3A_26 : i32
    %add3A_28 = arith.constant 1 : i32
    %add3A_29 = arith.addi %mul3A_27, %add3A_28 : i32
    %dma_start3A_30 = arith.constant 0 : i32
    %dma_start3A_31 = arith.constant 0 : i32
    %dma_start3A_32 = arith.constant 0 : i32
    %dma_start3A_33 = tpu.memref_slice %arg2[%dma_start3A_30, %add3A_29, %dma_start3A_31, %dma_start3A_32] : memref<32x128x8x128xf32, #tpu.memory_space<hbm>> -> memref<32x1x8x128xf32, #tpu.memory_space<hbm>>
    %dma_start3A_34 = tpu.memref_squeeze %dma_start3A_33 : memref<32x1x8x128xf32, #tpu.memory_space<hbm>> -> memref<32x8x128xf32, #tpu.memory_space<hbm>>
    %dma_start3A_35 = arith.constant 0 : i32
    %dma_start3A_36 = arith.constant 0 : i32
    %dma_start3A_37 = arith.constant 0 : i32
    %dma_start3A_38 = tpu.memref_slice %arg2[%dma_start3A_35, %add3A_29, %dma_start3A_36, %dma_start3A_37] : memref<32x128x8x128xf32, #tpu.memory_space<hbm>> -> memref<32x1x8x128xf32, #tpu.memory_space<hbm>>
    %dma_start3A_39 = tpu.memref_squeeze %dma_start3A_38 : memref<32x1x8x128xf32, #tpu.memory_space<hbm>> -> memref<32x8x128xf32, #tpu.memory_space<hbm>>
    tpu.enqueue_dma source(%dma_start3A_39 : memref<32x8x128xf32, #tpu.memory_space<hbm>>) target(%arg7 : memref<32x8x128xf32, #tpu.memory_space<vmem>>) target_semaphore(%arg14 : memref<!tpu.dma_semaphore, #tpu.memory_space<semaphore_mem>>)
    %dma_start3A_40 = arith.constant 0 : i32
    %dma_start3A_41 = arith.constant 0 : i32
    %dma_start3A_42 = tpu.memref_slice %arg3[%add3A_29, %dma_start3A_40, %dma_start3A_41] : memref<128x4x128xf32, #tpu.memory_space<hbm>> -> memref<1x4x128xf32, #tpu.memory_space<hbm>>
    %dma_start3A_43 = tpu.memref_squeeze %dma_start3A_42 : memref<1x4x128xf32, #tpu.memory_space<hbm>> -> memref<4x128xf32, #tpu.memory_space<hbm>>
    %dma_start3A_44 = arith.constant 0 : i32
    %dma_start3A_45 = arith.constant 0 : i32
    %dma_start3A_46 = tpu.memref_slice %arg3[%add3A_29, %dma_start3A_44, %dma_start3A_45] : memref<128x4x128xf32, #tpu.memory_space<hbm>> -> memref<1x4x128xf32, #tpu.memory_space<hbm>>
    %dma_start3A_47 = tpu.memref_squeeze %dma_start3A_46 : memref<1x4x128xf32, #tpu.memory_space<hbm>> -> memref<4x128xf32, #tpu.memory_space<hbm>>
    tpu.enqueue_dma source(%dma_start3A_47 : memref<4x128xf32, #tpu.memory_space<hbm>>) target(%arg9 : memref<4x128xf32, #tpu.memory_space<vmem>>) target_semaphore(%arg16 : memref<!tpu.dma_semaphore, #tpu.memory_space<semaphore_mem>>)
    %dma_wait3A = arith.constant 0 : i32
    %dma_wait3A_48 = arith.constant 0 : i32
    %dma_wait3A_49 = arith.constant 0 : i32
    %dma_wait3A_50 = tpu.memref_slice %arg2[%dma_wait3A, %add3A_4, %dma_wait3A_48, %dma_wait3A_49] : memref<32x128x8x128xf32, #tpu.memory_space<hbm>> -> memref<32x1x8x128xf32, #tpu.memory_space<hbm>>
    %dma_wait3A_51 = tpu.memref_squeeze %dma_wait3A_50 : memref<32x1x8x128xf32, #tpu.memory_space<hbm>> -> memref<32x8x128xf32, #tpu.memory_space<hbm>>
    %dma_wait3A_52 = arith.constant 0 : i32
    %dma_wait3A_53 = arith.constant 0 : i32
    %dma_wait3A_54 = arith.constant 0 : i32
    %dma_wait3A_55 = tpu.memref_slice %arg2[%dma_wait3A_52, %add3A_4, %dma_wait3A_53, %dma_wait3A_54] : memref<32x128x8x128xf32, #tpu.memory_space<hbm>> -> memref<32x1x8x128xf32, #tpu.memory_space<hbm>>
    %dma_wait3A_56 = tpu.memref_squeeze %dma_wait3A_55 : memref<32x1x8x128xf32, #tpu.memory_space<hbm>> -> memref<32x8x128xf32, #tpu.memory_space<hbm>>
    tpu.wait_dma2 semaphore(%arg13 : memref<!tpu.dma_semaphore, #tpu.memory_space<semaphore_mem>>) src(%dma_wait3A_56 : memref<32x8x128xf32, #tpu.memory_space<hbm>>) dst(%arg6 : memref<32x8x128xf32, #tpu.memory_space<vmem>>)
    %dma_wait3A_57 = arith.constant 0 : i32
    %dma_wait3A_58 = arith.constant 0 : i32
    %dma_wait3A_59 = tpu.memref_slice %arg3[%add3A_4, %dma_wait3A_57, %dma_wait3A_58] : memref<128x4x128xf32, #tpu.memory_space<hbm>> -> memref<1x4x128xf32, #tpu.memory_space<hbm>>
    %dma_wait3A_60 = tpu.memref_squeeze %dma_wait3A_59 : memref<1x4x128xf32, #tpu.memory_space<hbm>> -> memref<4x128xf32, #tpu.memory_space<hbm>>
    %dma_wait3A_61 = arith.constant 0 : i32
    %dma_wait3A_62 = arith.constant 0 : i32
    %dma_wait3A_63 = tpu.memref_slice %arg3[%add3A_4, %dma_wait3A_61, %dma_wait3A_62] : memref<128x4x128xf32, #tpu.memory_space<hbm>> -> memref<1x4x128xf32, #tpu.memory_space<hbm>>
    %dma_wait3A_64 = tpu.memref_squeeze %dma_wait3A_63 : memref<1x4x128xf32, #tpu.memory_space<hbm>> -> memref<4x128xf32, #tpu.memory_space<hbm>>
    tpu.wait_dma2 semaphore(%arg15 : memref<!tpu.dma_semaphore, #tpu.memory_space<semaphore_mem>>) src(%dma_wait3A_64 : memref<4x128xf32, #tpu.memory_space<hbm>>) dst(%arg8 : memref<4x128xf32, #tpu.memory_space<vmem>>)
    %scan3A = arith.constant 0 : i32
    %scan3A_65 = arith.constant 0 : i32
    %scan3A_66 = arith.constant 8 : i32
    %scan3A_67 = arith.addi %scan3A_65, %scan3A_66 : i32
    %scan3A_68 = arith.constant 1 : i32
    scf.for %scan3A_222 = %scan3A_65 to %scan3A_67 step %scan3A_68  : i32 {
      %mul3A_223 = arith.constant 16 : i32
      %mul3A_224 = arith.muli %scan3A_222, %mul3A_223 : i32
      %get3A = arith.constant 0 : i32
      %get3A_225 = arith.index_cast %get3A : i32 to index
      %get3A_226 = arith.index_cast %mul3A_224 : i32 to index
      %get3A_227 = tpu.vector_load %arg8[%get3A_225, %get3A_226] {strides = array<i32>} : memref<4x128xf32, #tpu.memory_space<vmem>>, vector<1x16xf32>,
      %get3A_228 = vector.shape_cast %get3A_227 : vector<1x16xf32> to vector<16xf32>
      %get3A_229 = arith.constant 1 : i32
      %get3A_230 = arith.index_cast %get3A_229 : i32 to index
      %get3A_231 = arith.index_cast %mul3A_224 : i32 to index
      %get3A_232 = tpu.vector_load %arg8[%get3A_230, %get3A_231] {strides = array<i32>} : memref<4x128xf32, #tpu.memory_space<vmem>>, vector<1x16xf32>,
      %get3A_233 = vector.shape_cast %get3A_232 : vector<1x16xf32> to vector<16xf32>
      %add3A_234 = arith.addf %get3A_228, %get3A_233 : vector<16xf32>
      %get3A_235 = arith.constant 2 : i32
      %get3A_236 = arith.index_cast %get3A_235 : i32 to index
      %get3A_237 = arith.index_cast %mul3A_224 : i32 to index
      %get3A_238 = tpu.vector_load %arg8[%get3A_236, %get3A_237] {strides = array<i32>} : memref<4x128xf32, #tpu.memory_space<vmem>>, vector<1x16xf32>,
      %get3A_239 = vector.shape_cast %get3A_238 : vector<1x16xf32> to vector<16xf32>
      %get3A_240 = arith.constant 3 : i32
      %get3A_241 = arith.index_cast %get3A_240 : i32 to index
      %get3A_242 = arith.index_cast %mul3A_224 : i32 to index
      %get3A_243 = tpu.vector_load %arg8[%get3A_241, %get3A_242] {strides = array<i32>} : memref<4x128xf32, #tpu.memory_space<vmem>>, vector<1x16xf32>,
      %get3A_244 = vector.shape_cast %get3A_243 : vector<1x16xf32> to vector<16xf32>
      %add3A_245 = arith.addf %get3A_239, %get3A_244 : vector<16xf32>
      %add3A_246 = arith.addf %add3A_234, %add3A_245 : vector<16xf32>
      %get3A_247 = arith.constant 0 : index
      %get3A_248 = tpu.vector_load %arg12[%get3A_247] {strides = array<i32>} : memref<16xf32, #tpu.memory_space<vmem>>, vector<16xf32>,
      %get3A_249 = vector.shape_cast %get3A_248 : vector<16xf32> to vector<16xf32>
      %add3A_250 = arith.addf %add3A_246, %get3A_249 : vector<16xf32>
      %get3A_251 = arith.constant 0 : i32
      %get3A_252 = arith.constant 0 : i32
      %get3A_253 = arith.index_cast %get3A_251 : i32 to index
      %get3A_254 = arith.index_cast %get3A_252 : i32 to index
      %get3A_255 = arith.index_cast %mul3A_224 : i32 to index
      %get3A_256 = tpu.vector_load %arg6[%get3A_253, %get3A_254, %get3A_255] {strides = array<i32>} : memref<32x8x128xf32, #tpu.memory_space<vmem>>, vector<1x1x16xf32>,
      %get3A_257 = vector.shape_cast %get3A_256 : vector<1x1x16xf32> to vector<16xf32>
      %add3A_258 = arith.addf %add3A_250, %get3A_257 : vector<16xf32>
      %swap3A = arith.index_cast %mul3A_224 : i32 to index
      %swap3A_259 = tpu.vector_load %arg10[%swap3A] {strides = array<i32>} : memref<128xf32, #tpu.memory_space<vmem>>, vector<16xf32>,
      %swap3A_260 = vector.shape_cast %swap3A_259 : vector<16xf32> to vector<16xf32>
      %swap3A_261 = vector.shape_cast %add3A_258 : vector<16xf32> to vector<16xf32>
      tpu.vector_store %arg10[%swap3A], %swap3A_261 {strides = array<i32>} : memref<128xf32, #tpu.memory_space<vmem>>, vector<16xf32>,
    }
    %scan3A_69 = arith.constant 8 : i32
    %mul3A_70 = arith.constant 128 : i32
    %mul3A_71 = arith.muli %add3A_25, %mul3A_70 : i32
    %dma_start3A_72 = tpu.memref_slice %arg5[%mul3A_71] : memref<16384xf32, #tpu.memory_space<hbm>> -> memref<128xf32, #tpu.memory_space<hbm>>
    %dma_start3A_73 = tpu.memref_slice %arg5[%mul3A_71] : memref<16384xf32, #tpu.memory_space<hbm>> -> memref<128xf32, #tpu.memory_space<hbm>>
    tpu.enqueue_dma source(%arg10 : memref<128xf32, #tpu.memory_space<vmem>>) target(%dma_start3A_73 : memref<128xf32, #tpu.memory_space<hbm>>) target_semaphore(%arg17 : memref<!tpu.dma_semaphore, #tpu.memory_space<semaphore_mem>>)
    %mul3A_74 = arith.constant 4 : i32
    %mul3A_75 = arith.muli %add3A, %mul3A_74 : i32
    %add3A_76 = arith.constant 1 : i32
    %add3A_77 = arith.addi %mul3A_75, %add3A_76 : i32
    %mul3A_78 = arith.constant 4 : i32
    %mul3A_79 = arith.muli %add3A, %mul3A_78 : i32
    %add3A_80 = arith.constant 2 : i32
    %add3A_81 = arith.addi %mul3A_79, %add3A_80 : i32
    %dma_start3A_82 = arith.constant 0 : i32
    %dma_start3A_83 = arith.constant 0 : i32
    %dma_start3A_84 = arith.constant 0 : i32
    %dma_start3A_85 = tpu.memref_slice %arg2[%dma_start3A_82, %add3A_81, %dma_start3A_83, %dma_start3A_84] : memref<32x128x8x128xf32, #tpu.memory_space<hbm>> -> memref<32x1x8x128xf32, #tpu.memory_space<hbm>>
    %dma_start3A_86 = tpu.memref_squeeze %dma_start3A_85 : memref<32x1x8x128xf32, #tpu.memory_space<hbm>> -> memref<32x8x128xf32, #tpu.memory_space<hbm>>
    %dma_start3A_87 = arith.constant 0 : i32
    %dma_start3A_88 = arith.constant 0 : i32
    %dma_start3A_89 = arith.constant 0 : i32
    %dma_start3A_90 = tpu.memref_slice %arg2[%dma_start3A_87, %add3A_81, %dma_start3A_88, %dma_start3A_89] : memref<32x128x8x128xf32, #tpu.memory_space<hbm>> -> memref<32x1x8x128xf32, #tpu.memory_space<hbm>>
    %dma_start3A_91 = tpu.memref_squeeze %dma_start3A_90 : memref<32x1x8x128xf32, #tpu.memory_space<hbm>> -> memref<32x8x128xf32, #tpu.memory_space<hbm>>
    tpu.enqueue_dma source(%dma_start3A_91 : memref<32x8x128xf32, #tpu.memory_space<hbm>>) target(%arg6 : memref<32x8x128xf32, #tpu.memory_space<vmem>>) target_semaphore(%arg13 : memref<!tpu.dma_semaphore, #tpu.memory_space<semaphore_mem>>)
    %dma_start3A_92 = arith.constant 0 : i32
    %dma_start3A_93 = arith.constant 0 : i32
    %dma_start3A_94 = tpu.memref_slice %arg3[%add3A_81, %dma_start3A_92, %dma_start3A_93] : memref<128x4x128xf32, #tpu.memory_space<hbm>> -> memref<1x4x128xf32, #tpu.memory_space<hbm>>
    %dma_start3A_95 = tpu.memref_squeeze %dma_start3A_94 : memref<1x4x128xf32, #tpu.memory_space<hbm>> -> memref<4x128xf32, #tpu.memory_space<hbm>>
    %dma_start3A_96 = arith.constant 0 : i32
    %dma_start3A_97 = arith.constant 0 : i32
    %dma_start3A_98 = tpu.memref_slice %arg3[%add3A_81, %dma_start3A_96, %dma_start3A_97] : memref<128x4x128xf32, #tpu.memory_space<hbm>> -> memref<1x4x128xf32, #tpu.memory_space<hbm>>
    %dma_start3A_99 = tpu.memref_squeeze %dma_start3A_98 : memref<1x4x128xf32, #tpu.memory_space<hbm>> -> memref<4x128xf32, #tpu.memory_space<hbm>>
    tpu.enqueue_dma source(%dma_start3A_99 : memref<4x128xf32, #tpu.memory_space<hbm>>) target(%arg8 : memref<4x128xf32, #tpu.memory_space<vmem>>) target_semaphore(%arg15 : memref<!tpu.dma_semaphore, #tpu.memory_space<semaphore_mem>>)
    %dma_wait3A_100 = arith.constant 0 : i32
    %dma_wait3A_101 = arith.constant 0 : i32
    %dma_wait3A_102 = arith.constant 0 : i32
    %dma_wait3A_103 = tpu.memref_slice %arg2[%dma_wait3A_100, %add3A_29, %dma_wait3A_101, %dma_wait3A_102] : memref<32x128x8x128xf32, #tpu.memory_space<hbm>> -> memref<32x1x8x128xf32, #tpu.memory_space<hbm>>
    %dma_wait3A_104 = tpu.memref_squeeze %dma_wait3A_103 : memref<32x1x8x128xf32, #tpu.memory_space<hbm>> -> memref<32x8x128xf32, #tpu.memory_space<hbm>>
    %dma_wait3A_105 = arith.constant 0 : i32
    %dma_wait3A_106 = arith.constant 0 : i32
    %dma_wait3A_107 = arith.constant 0 : i32
    %dma_wait3A_108 = tpu.memref_slice %arg2[%dma_wait3A_105, %add3A_29, %dma_wait3A_106, %dma_wait3A_107] : memref<32x128x8x128xf32, #tpu.memory_space<hbm>> -> memref<32x1x8x128xf32, #tpu.memory_space<hbm>>
    %dma_wait3A_109 = tpu.memref_squeeze %dma_wait3A_108 : memref<32x1x8x128xf32, #tpu.memory_space<hbm>> -> memref<32x8x128xf32, #tpu.memory_space<hbm>>
    tpu.wait_dma2 semaphore(%arg14 : memref<!tpu.dma_semaphore, #tpu.memory_space<semaphore_mem>>) src(%dma_wait3A_109 : memref<32x8x128xf32, #tpu.memory_space<hbm>>) dst(%arg7 : memref<32x8x128xf32, #tpu.memory_space<vmem>>)
    %dma_wait3A_110 = arith.constant 0 : i32
    %dma_wait3A_111 = arith.constant 0 : i32
    %dma_wait3A_112 = tpu.memref_slice %arg3[%add3A_29, %dma_wait3A_110, %dma_wait3A_111] : memref<128x4x128xf32, #tpu.memory_space<hbm>> -> memref<1x4x128xf32, #tpu.memory_space<hbm>>
    %dma_wait3A_113 = tpu.memref_squeeze %dma_wait3A_112 : memref<1x4x128xf32, #tpu.memory_space<hbm>> -> memref<4x128xf32, #tpu.memory_space<hbm>>
    %dma_wait3A_114 = arith.constant 0 : i32
    %dma_wait3A_115 = arith.constant 0 : i32
    %dma_wait3A_116 = tpu.memref_slice %arg3[%add3A_29, %dma_wait3A_114, %dma_wait3A_115] : memref<128x4x128xf32, #tpu.memory_space<hbm>> -> memref<1x4x128xf32, #tpu.memory_space<hbm>>
    %dma_wait3A_117 = tpu.memref_squeeze %dma_wait3A_116 : memref<1x4x128xf32, #tpu.memory_space<hbm>> -> memref<4x128xf32, #tpu.memory_space<hbm>>
    tpu.wait_dma2 semaphore(%arg16 : memref<!tpu.dma_semaphore, #tpu.memory_space<semaphore_mem>>) src(%dma_wait3A_117 : memref<4x128xf32, #tpu.memory_space<hbm>>) dst(%arg9 : memref<4x128xf32, #tpu.memory_space<vmem>>)
    %scan3A_118 = arith.constant 0 : i32
    %scan3A_119 = arith.constant 0 : i32
    %scan3A_120 = arith.constant 8 : i32
    %scan3A_121 = arith.addi %scan3A_119, %scan3A_120 : i32
    %scan3A_122 = arith.constant 1 : i32
    scf.for %scan3A_222 = %scan3A_119 to %scan3A_121 step %scan3A_122  : i32 {
      %mul3A_223 = arith.constant 16 : i32
      %mul3A_224 = arith.muli %scan3A_222, %mul3A_223 : i32
      %get3A = arith.constant 0 : i32
      %get3A_225 = arith.index_cast %get3A : i32 to index
      %get3A_226 = arith.index_cast %mul3A_224 : i32 to index
      %get3A_227 = tpu.vector_load %arg9[%get3A_225, %get3A_226] {strides = array<i32>} : memref<4x128xf32, #tpu.memory_space<vmem>>, vector<1x16xf32>,
      %get3A_228 = vector.shape_cast %get3A_227 : vector<1x16xf32> to vector<16xf32>
      %get3A_229 = arith.constant 1 : i32
      %get3A_230 = arith.index_cast %get3A_229 : i32 to index
      %get3A_231 = arith.index_cast %mul3A_224 : i32 to index
      %get3A_232 = tpu.vector_load %arg9[%get3A_230, %get3A_231] {strides = array<i32>} : memref<4x128xf32, #tpu.memory_space<vmem>>, vector<1x16xf32>,
      %get3A_233 = vector.shape_cast %get3A_232 : vector<1x16xf32> to vector<16xf32>
      %add3A_234 = arith.addf %get3A_228, %get3A_233 : vector<16xf32>
      %get3A_235 = arith.constant 2 : i32
      %get3A_236 = arith.index_cast %get3A_235 : i32 to index
      %get3A_237 = arith.index_cast %mul3A_224 : i32 to index
      %get3A_238 = tpu.vector_load %arg9[%get3A_236, %get3A_237] {strides = array<i32>} : memref<4x128xf32, #tpu.memory_space<vmem>>, vector<1x16xf32>,
      %get3A_239 = vector.shape_cast %get3A_238 : vector<1x16xf32> to vector<16xf32>
      %get3A_240 = arith.constant 3 : i32
      %get3A_241 = arith.index_cast %get3A_240 : i32 to index
      %get3A_242 = arith.index_cast %mul3A_224 : i32 to index
      %get3A_243 = tpu.vector_load %arg9[%get3A_241, %get3A_242] {strides = array<i32>} : memref<4x128xf32, #tpu.memory_space<vmem>>, vector<1x16xf32>,
      %get3A_244 = vector.shape_cast %get3A_243 : vector<1x16xf32> to vector<16xf32>
      %add3A_245 = arith.addf %get3A_239, %get3A_244 : vector<16xf32>
      %add3A_246 = arith.addf %add3A_234, %add3A_245 : vector<16xf32>
      %get3A_247 = arith.constant 0 : index
      %get3A_248 = tpu.vector_load %arg12[%get3A_247] {strides = array<i32>} : memref<16xf32, #tpu.memory_space<vmem>>, vector<16xf32>,
      %get3A_249 = vector.shape_cast %get3A_248 : vector<16xf32> to vector<16xf32>
      %add3A_250 = arith.addf %add3A_246, %get3A_249 : vector<16xf32>
      %get3A_251 = arith.constant 0 : i32
      %get3A_252 = arith.constant 0 : i32
      %get3A_253 = arith.index_cast %get3A_251 : i32 to index
      %get3A_254 = arith.index_cast %get3A_252 : i32 to index
      %get3A_255 = arith.index_cast %mul3A_224 : i32 to index
      %get3A_256 = tpu.vector_load %arg7[%get3A_253, %get3A_254, %get3A_255] {strides = array<i32>} : memref<32x8x128xf32, #tpu.memory_space<vmem>>, vector<1x1x16xf32>,
      %get3A_257 = vector.shape_cast %get3A_256 : vector<1x1x16xf32> to vector<16xf32>
      %add3A_258 = arith.addf %add3A_250, %get3A_257 : vector<16xf32>
      %swap3A = arith.index_cast %mul3A_224 : i32 to index
      %swap3A_259 = tpu.vector_load %arg11[%swap3A] {strides = array<i32>} : memref<128xf32, #tpu.memory_space<vmem>>, vector<16xf32>,
      %swap3A_260 = vector.shape_cast %swap3A_259 : vector<16xf32> to vector<16xf32>
      %swap3A_261 = vector.shape_cast %add3A_258 : vector<16xf32> to vector<16xf32>
      tpu.vector_store %arg11[%swap3A], %swap3A_261 {strides = array<i32>} : memref<128xf32, #tpu.memory_space<vmem>>, vector<16xf32>,
    }
    %scan3A_123 = arith.constant 8 : i32
    %mul3A_124 = arith.constant 128 : i32
    %mul3A_125 = arith.muli %add3A_77, %mul3A_124 : i32
    %dma_start3A_126 = tpu.memref_slice %arg5[%mul3A_125] : memref<16384xf32, #tpu.memory_space<hbm>> -> memref<128xf32, #tpu.memory_space<hbm>>
    %dma_start3A_127 = tpu.memref_slice %arg5[%mul3A_125] : memref<16384xf32, #tpu.memory_space<hbm>> -> memref<128xf32, #tpu.memory_space<hbm>>
    tpu.enqueue_dma source(%arg11 : memref<128xf32, #tpu.memory_space<vmem>>) target(%dma_start3A_127 : memref<128xf32, #tpu.memory_space<hbm>>) target_semaphore(%arg18 : memref<!tpu.dma_semaphore, #tpu.memory_space<semaphore_mem>>)
    %mul3A_128 = arith.constant 4 : i32
    %mul3A_129 = arith.muli %add3A, %mul3A_128 : i32
    %add3A_130 = arith.constant 2 : i32
    %add3A_131 = arith.addi %mul3A_129, %add3A_130 : i32
    %mul3A_132 = arith.constant 4 : i32
    %mul3A_133 = arith.muli %add3A, %mul3A_132 : i32
    %add3A_134 = arith.constant 3 : i32
    %add3A_135 = arith.addi %mul3A_133, %add3A_134 : i32
    %dma_start3A_136 = arith.constant 0 : i32
    %dma_start3A_137 = arith.constant 0 : i32
    %dma_start3A_138 = arith.constant 0 : i32
    %dma_start3A_139 = tpu.memref_slice %arg2[%dma_start3A_136, %add3A_135, %dma_start3A_137, %dma_start3A_138] : memref<32x128x8x128xf32, #tpu.memory_space<hbm>> -> memref<32x1x8x128xf32, #tpu.memory_space<hbm>>
    %dma_start3A_140 = tpu.memref_squeeze %dma_start3A_139 : memref<32x1x8x128xf32, #tpu.memory_space<hbm>> -> memref<32x8x128xf32, #tpu.memory_space<hbm>>
    %dma_start3A_141 = arith.constant 0 : i32
    %dma_start3A_142 = arith.constant 0 : i32
    %dma_start3A_143 = arith.constant 0 : i32
    %dma_start3A_144 = tpu.memref_slice %arg2[%dma_start3A_141, %add3A_135, %dma_start3A_142, %dma_start3A_143] : memref<32x128x8x128xf32, #tpu.memory_space<hbm>> -> memref<32x1x8x128xf32, #tpu.memory_space<hbm>>
    %dma_start3A_145 = tpu.memref_squeeze %dma_start3A_144 : memref<32x1x8x128xf32, #tpu.memory_space<hbm>> -> memref<32x8x128xf32, #tpu.memory_space<hbm>>
    tpu.enqueue_dma source(%dma_start3A_145 : memref<32x8x128xf32, #tpu.memory_space<hbm>>) target(%arg7 : memref<32x8x128xf32, #tpu.memory_space<vmem>>) target_semaphore(%arg14 : memref<!tpu.dma_semaphore, #tpu.memory_space<semaphore_mem>>)
    %dma_start3A_146 = arith.constant 0 : i32
    %dma_start3A_147 = arith.constant 0 : i32
    %dma_start3A_148 = tpu.memref_slice %arg3[%add3A_135, %dma_start3A_146, %dma_start3A_147] : memref<128x4x128xf32, #tpu.memory_space<hbm>> -> memref<1x4x128xf32, #tpu.memory_space<hbm>>
    %dma_start3A_149 = tpu.memref_squeeze %dma_start3A_148 : memref<1x4x128xf32, #tpu.memory_space<hbm>> -> memref<4x128xf32, #tpu.memory_space<hbm>>
    %dma_start3A_150 = arith.constant 0 : i32
    %dma_start3A_151 = arith.constant 0 : i32
    %dma_start3A_152 = tpu.memref_slice %arg3[%add3A_135, %dma_start3A_150, %dma_start3A_151] : memref<128x4x128xf32, #tpu.memory_space<hbm>> -> memref<1x4x128xf32, #tpu.memory_space<hbm>>
    %dma_start3A_153 = tpu.memref_squeeze %dma_start3A_152 : memref<1x4x128xf32, #tpu.memory_space<hbm>> -> memref<4x128xf32, #tpu.memory_space<hbm>>
    tpu.enqueue_dma source(%dma_start3A_153 : memref<4x128xf32, #tpu.memory_space<hbm>>) target(%arg9 : memref<4x128xf32, #tpu.memory_space<vmem>>) target_semaphore(%arg16 : memref<!tpu.dma_semaphore, #tpu.memory_space<semaphore_mem>>)
    %dma_wait3A_154 = arith.constant 0 : i32
    %dma_wait3A_155 = arith.constant 0 : i32
    %dma_wait3A_156 = arith.constant 0 : i32
    %dma_wait3A_157 = tpu.memref_slice %arg2[%dma_wait3A_154, %add3A_81, %dma_wait3A_155, %dma_wait3A_156] : memref<32x128x8x128xf32, #tpu.memory_space<hbm>> -> memref<32x1x8x128xf32, #tpu.memory_space<hbm>>
    %dma_wait3A_158 = tpu.memref_squeeze %dma_wait3A_157 : memref<32x1x8x128xf32, #tpu.memory_space<hbm>> -> memref<32x8x128xf32, #tpu.memory_space<hbm>>
    %dma_wait3A_159 = arith.constant 0 : i32
    %dma_wait3A_160 = arith.constant 0 : i32
    %dma_wait3A_161 = arith.constant 0 : i32
    %dma_wait3A_162 = tpu.memref_slice %arg2[%dma_wait3A_159, %add3A_81, %dma_wait3A_160, %dma_wait3A_161] : memref<32x128x8x128xf32, #tpu.memory_space<hbm>> -> memref<32x1x8x128xf32, #tpu.memory_space<hbm>>
    %dma_wait3A_163 = tpu.memref_squeeze %dma_wait3A_162 : memref<32x1x8x128xf32, #tpu.memory_space<hbm>> -> memref<32x8x128xf32, #tpu.memory_space<hbm>>
    tpu.wait_dma2 semaphore(%arg13 : memref<!tpu.dma_semaphore, #tpu.memory_space<semaphore_mem>>) src(%dma_wait3A_163 : memref<32x8x128xf32, #tpu.memory_space<hbm>>) dst(%arg6 : memref<32x8x128xf32, #tpu.memory_space<vmem>>)
    %dma_wait3A_164 = arith.constant 0 : i32
    %dma_wait3A_165 = arith.constant 0 : i32
    %dma_wait3A_166 = tpu.memref_slice %arg3[%add3A_81, %dma_wait3A_164, %dma_wait3A_165] : memref<128x4x128xf32, #tpu.memory_space<hbm>> -> memref<1x4x128xf32, #tpu.memory_space<hbm>>
    %dma_wait3A_167 = tpu.memref_squeeze %dma_wait3A_166 : memref<1x4x128xf32, #tpu.memory_space<hbm>> -> memref<4x128xf32, #tpu.memory_space<hbm>>
    %dma_wait3A_168 = arith.constant 0 : i32
    %dma_wait3A_169 = arith.constant 0 : i32
    %dma_wait3A_170 = tpu.memref_slice %arg3[%add3A_81, %dma_wait3A_168, %dma_wait3A_169] : memref<128x4x128xf32, #tpu.memory_space<hbm>> -> memref<1x4x128xf32, #tpu.memory_space<hbm>>
    %dma_wait3A_171 = tpu.memref_squeeze %dma_wait3A_170 : memref<1x4x128xf32, #tpu.memory_space<hbm>> -> memref<4x128xf32, #tpu.memory_space<hbm>>
    tpu.wait_dma2 semaphore(%arg15 : memref<!tpu.dma_semaphore, #tpu.memory_space<semaphore_mem>>) src(%dma_wait3A_171 : memref<4x128xf32, #tpu.memory_space<hbm>>) dst(%arg8 : memref<4x128xf32, #tpu.memory_space<vmem>>)
    %dma_wait3A_172 = tpu.memref_slice %arg5[%mul3A_71] : memref<16384xf32, #tpu.memory_space<hbm>> -> memref<128xf32, #tpu.memory_space<hbm>>
    %dma_wait3A_173 = tpu.memref_slice %arg5[%mul3A_71] : memref<16384xf32, #tpu.memory_space<hbm>> -> memref<128xf32, #tpu.memory_space<hbm>>
    tpu.wait_dma2 semaphore(%arg17 : memref<!tpu.dma_semaphore, #tpu.memory_space<semaphore_mem>>) src(%arg10 : memref<128xf32, #tpu.memory_space<vmem>>) dst(%dma_wait3A_173 : memref<128xf32, #tpu.memory_space<hbm>>)
    %scan3A_174 = arith.constant 0 : i32
    %scan3A_175 = arith.constant 0 : i32
    %scan3A_176 = arith.constant 8 : i32
    %scan3A_177 = arith.addi %scan3A_175, %scan3A_176 : i32
    %scan3A_178 = arith.constant 1 : i32
    scf.for %scan3A_222 = %scan3A_175 to %scan3A_177 step %scan3A_178  : i32 {
      %mul3A_223 = arith.constant 16 : i32
      %mul3A_224 = arith.muli %scan3A_222, %mul3A_223 : i32
      %get3A = arith.constant 0 : i32
      %get3A_225 = arith.index_cast %get3A : i32 to index
      %get3A_226 = arith.index_cast %mul3A_224 : i32 to index
      %get3A_227 = tpu.vector_load %arg8[%get3A_225, %get3A_226] {strides = array<i32>} : memref<4x128xf32, #tpu.memory_space<vmem>>, vector<1x16xf32>,
      %get3A_228 = vector.shape_cast %get3A_227 : vector<1x16xf32> to vector<16xf32>
      %get3A_229 = arith.constant 1 : i32
      %get3A_230 = arith.index_cast %get3A_229 : i32 to index
      %get3A_231 = arith.index_cast %mul3A_224 : i32 to index
      %get3A_232 = tpu.vector_load %arg8[%get3A_230, %get3A_231] {strides = array<i32>} : memref<4x128xf32, #tpu.memory_space<vmem>>, vector<1x16xf32>,
      %get3A_233 = vector.shape_cast %get3A_232 : vector<1x16xf32> to vector<16xf32>
      %add3A_234 = arith.addf %get3A_228, %get3A_233 : vector<16xf32>
      %get3A_235 = arith.constant 2 : i32
      %get3A_236 = arith.index_cast %get3A_235 : i32 to index
      %get3A_237 = arith.index_cast %mul3A_224 : i32 to index
      %get3A_238 = tpu.vector_load %arg8[%get3A_236, %get3A_237] {strides = array<i32>} : memref<4x128xf32, #tpu.memory_space<vmem>>, vector<1x16xf32>,
      %get3A_239 = vector.shape_cast %get3A_238 : vector<1x16xf32> to vector<16xf32>
      %get3A_240 = arith.constant 3 : i32
      %get3A_241 = arith.index_cast %get3A_240 : i32 to index
      %get3A_242 = arith.index_cast %mul3A_224 : i32 to index
      %get3A_243 = tpu.vector_load %arg8[%get3A_241, %get3A_242] {strides = array<i32>} : memref<4x128xf32, #tpu.memory_space<vmem>>, vector<1x16xf32>,
      %get3A_244 = vector.shape_cast %get3A_243 : vector<1x16xf32> to vector<16xf32>
      %add3A_245 = arith.addf %get3A_239, %get3A_244 : vector<16xf32>
      %add3A_246 = arith.addf %add3A_234, %add3A_245 : vector<16xf32>
      %get3A_247 = arith.constant 0 : index
      %get3A_248 = tpu.vector_load %arg12[%get3A_247] {strides = array<i32>} : memref<16xf32, #tpu.memory_space<vmem>>, vector<16xf32>,
      %get3A_249 = vector.shape_cast %get3A_248 : vector<16xf32> to vector<16xf32>
      %add3A_250 = arith.addf %add3A_246, %get3A_249 : vector<16xf32>
      %get3A_251 = arith.constant 0 : i32
      %get3A_252 = arith.constant 0 : i32
      %get3A_253 = arith.index_cast %get3A_251 : i32 to index
      %get3A_254 = arith.index_cast %get3A_252 : i32 to index
      %get3A_255 = arith.index_cast %mul3A_224 : i32 to index
      %get3A_256 = tpu.vector_load %arg6[%get3A_253, %get3A_254, %get3A_255] {strides = array<i32>} : memref<32x8x128xf32, #tpu.memory_space<vmem>>, vector<1x1x16xf32>,
      %get3A_257 = vector.shape_cast %get3A_256 : vector<1x1x16xf32> to vector<16xf32>
      %add3A_258 = arith.addf %add3A_250, %get3A_257 : vector<16xf32>
      %swap3A = arith.index_cast %mul3A_224 : i32 to index
      %swap3A_259 = tpu.vector_load %arg10[%swap3A] {strides = array<i32>} : memref<128xf32, #tpu.memory_space<vmem>>, vector<16xf32>,
      %swap3A_260 = vector.shape_cast %swap3A_259 : vector<16xf32> to vector<16xf32>
      %swap3A_261 = vector.shape_cast %add3A_258 : vector<16xf32> to vector<16xf32>
      tpu.vector_store %arg10[%swap3A], %swap3A_261 {strides = array<i32>} : memref<128xf32, #tpu.memory_space<vmem>>, vector<16xf32>,
    }
    %scan3A_179 = arith.constant 8 : i32
    %mul3A_180 = arith.constant 128 : i32
    %mul3A_181 = arith.muli %add3A_131, %mul3A_180 : i32
    %dma_start3A_182 = tpu.memref_slice %arg5[%mul3A_181] : memref<16384xf32, #tpu.memory_space<hbm>> -> memref<128xf32, #tpu.memory_space<hbm>>
    %dma_start3A_183 = tpu.memref_slice %arg5[%mul3A_181] : memref<16384xf32, #tpu.memory_space<hbm>> -> memref<128xf32, #tpu.memory_space<hbm>>
    tpu.enqueue_dma source(%arg10 : memref<128xf32, #tpu.memory_space<vmem>>) target(%dma_start3A_183 : memref<128xf32, #tpu.memory_space<hbm>>) target_semaphore(%arg17 : memref<!tpu.dma_semaphore, #tpu.memory_space<semaphore_mem>>)
    %mul3A_184 = arith.constant 4 : i32
    %mul3A_185 = arith.muli %add3A, %mul3A_184 : i32
    %add3A_186 = arith.constant 3 : i32
    %add3A_187 = arith.addi %mul3A_185, %add3A_186 : i32
    %dma_wait3A_188 = arith.constant 0 : i32
    %dma_wait3A_189 = arith.constant 0 : i32
    %dma_wait3A_190 = arith.constant 0 : i32
    %dma_wait3A_191 = tpu.memref_slice %arg2[%dma_wait3A_188, %add3A_135, %dma_wait3A_189, %dma_wait3A_190] : memref<32x128x8x128xf32, #tpu.memory_space<hbm>> -> memref<32x1x8x128xf32, #tpu.memory_space<hbm>>
    %dma_wait3A_192 = tpu.memref_squeeze %dma_wait3A_191 : memref<32x1x8x128xf32, #tpu.memory_space<hbm>> -> memref<32x8x128xf32, #tpu.memory_space<hbm>>
    %dma_wait3A_193 = arith.constant 0 : i32
    %dma_wait3A_194 = arith.constant 0 : i32
    %dma_wait3A_195 = arith.constant 0 : i32
    %dma_wait3A_196 = tpu.memref_slice %arg2[%dma_wait3A_193, %add3A_135, %dma_wait3A_194, %dma_wait3A_195] : memref<32x128x8x128xf32, #tpu.memory_space<hbm>> -> memref<32x1x8x128xf32, #tpu.memory_space<hbm>>
    %dma_wait3A_197 = tpu.memref_squeeze %dma_wait3A_196 : memref<32x1x8x128xf32, #tpu.memory_space<hbm>> -> memref<32x8x128xf32, #tpu.memory_space<hbm>>
    tpu.wait_dma2 semaphore(%arg14 : memref<!tpu.dma_semaphore, #tpu.memory_space<semaphore_mem>>) src(%dma_wait3A_197 : memref<32x8x128xf32, #tpu.memory_space<hbm>>) dst(%arg7 : memref<32x8x128xf32, #tpu.memory_space<vmem>>)
    %dma_wait3A_198 = arith.constant 0 : i32
    %dma_wait3A_199 = arith.constant 0 : i32
    %dma_wait3A_200 = tpu.memref_slice %arg3[%add3A_135, %dma_wait3A_198, %dma_wait3A_199] : memref<128x4x128xf32, #tpu.memory_space<hbm>> -> memref<1x4x128xf32, #tpu.memory_space<hbm>>
    %dma_wait3A_201 = tpu.memref_squeeze %dma_wait3A_200 : memref<1x4x128xf32, #tpu.memory_space<hbm>> -> memref<4x128xf32, #tpu.memory_space<hbm>>
    %dma_wait3A_202 = arith.constant 0 : i32
    %dma_wait3A_203 = arith.constant 0 : i32
    %dma_wait3A_204 = tpu.memref_slice %arg3[%add3A_135, %dma_wait3A_202, %dma_wait3A_203] : memref<128x4x128xf32, #tpu.memory_space<hbm>> -> memref<1x4x128xf32, #tpu.memory_space<hbm>>
    %dma_wait3A_205 = tpu.memref_squeeze %dma_wait3A_204 : memref<1x4x128xf32, #tpu.memory_space<hbm>> -> memref<4x128xf32, #tpu.memory_space<hbm>>
    tpu.wait_dma2 semaphore(%arg16 : memref<!tpu.dma_semaphore, #tpu.memory_space<semaphore_mem>>) src(%dma_wait3A_205 : memref<4x128xf32, #tpu.memory_space<hbm>>) dst(%arg9 : memref<4x128xf32, #tpu.memory_space<vmem>>)
    %dma_wait3A_206 = tpu.memref_slice %arg5[%mul3A_125] : memref<16384xf32, #tpu.memory_space<hbm>> -> memref<128xf32, #tpu.memory_space<hbm>>
    %dma_wait3A_207 = tpu.memref_slice %arg5[%mul3A_125] : memref<16384xf32, #tpu.memory_space<hbm>> -> memref<128xf32, #tpu.memory_space<hbm>>
    tpu.wait_dma2 semaphore(%arg18 : memref<!tpu.dma_semaphore, #tpu.memory_space<semaphore_mem>>) src(%arg11 : memref<128xf32, #tpu.memory_space<vmem>>) dst(%dma_wait3A_207 : memref<128xf32, #tpu.memory_space<hbm>>)
    %scan3A_208 = arith.constant 0 : i32
    %scan3A_209 = arith.constant 0 : i32
    %scan3A_210 = arith.constant 8 : i32
    %scan3A_211 = arith.addi %scan3A_209, %scan3A_210 : i32
    %scan3A_212 = arith.constant 1 : i32
    scf.for %scan3A_222 = %scan3A_209 to %scan3A_211 step %scan3A_212  : i32 {
      %mul3A_223 = arith.constant 16 : i32
      %mul3A_224 = arith.muli %scan3A_222, %mul3A_223 : i32
      %get3A = arith.constant 0 : i32
      %get3A_225 = arith.index_cast %get3A : i32 to index
      %get3A_226 = arith.index_cast %mul3A_224 : i32 to index
      %get3A_227 = tpu.vector_load %arg9[%get3A_225, %get3A_226] {strides = array<i32>} : memref<4x128xf32, #tpu.memory_space<vmem>>, vector<1x16xf32>,
      %get3A_228 = vector.shape_cast %get3A_227 : vector<1x16xf32> to vector<16xf32>
      %get3A_229 = arith.constant 1 : i32
      %get3A_230 = arith.index_cast %get3A_229 : i32 to index
      %get3A_231 = arith.index_cast %mul3A_224 : i32 to index
      %get3A_232 = tpu.vector_load %arg9[%get3A_230, %get3A_231] {strides = array<i32>} : memref<4x128xf32, #tpu.memory_space<vmem>>, vector<1x16xf32>,
      %get3A_233 = vector.shape_cast %get3A_232 : vector<1x16xf32> to vector<16xf32>
      %add3A_234 = arith.addf %get3A_228, %get3A_233 : vector<16xf32>
      %get3A_235 = arith.constant 2 : i32
      %get3A_236 = arith.index_cast %get3A_235 : i32 to index
      %get3A_237 = arith.index_cast %mul3A_224 : i32 to index
      %get3A_238 = tpu.vector_load %arg9[%get3A_236, %get3A_237] {strides = array<i32>} : memref<4x128xf32, #tpu.memory_space<vmem>>, vector<1x16xf32>,
      %get3A_239 = vector.shape_cast %get3A_238 : vector<1x16xf32> to vector<16xf32>
      %get3A_240 = arith.constant 3 : i32
      %get3A_241 = arith.index_cast %get3A_240 : i32 to index
      %get3A_242 = arith.index_cast %mul3A_224 : i32 to index
      %get3A_243 = tpu.vector_load %arg9[%get3A_241, %get3A_242] {strides = array<i32>} : memref<4x128xf32, #tpu.memory_space<vmem>>, vector<1x16xf32>,
      %get3A_244 = vector.shape_cast %get3A_243 : vector<1x16xf32> to vector<16xf32>
      %add3A_245 = arith.addf %get3A_239, %get3A_244 : vector<16xf32>
      %add3A_246 = arith.addf %add3A_234, %add3A_245 : vector<16xf32>
      %get3A_247 = arith.constant 0 : index
      %get3A_248 = tpu.vector_load %arg12[%get3A_247] {strides = array<i32>} : memref<16xf32, #tpu.memory_space<vmem>>, vector<16xf32>,
      %get3A_249 = vector.shape_cast %get3A_248 : vector<16xf32> to vector<16xf32>
      %add3A_250 = arith.addf %add3A_246, %get3A_249 : vector<16xf32>
      %get3A_251 = arith.constant 0 : i32
      %get3A_252 = arith.constant 0 : i32
      %get3A_253 = arith.index_cast %get3A_251 : i32 to index
      %get3A_254 = arith.index_cast %get3A_252 : i32 to index
      %get3A_255 = arith.index_cast %mul3A_224 : i32 to index
      %get3A_256 = tpu.vector_load %arg7[%get3A_253, %get3A_254, %get3A_255] {strides = array<i32>} : memref<32x8x128xf32, #tpu.memory_space<vmem>>, vector<1x1x16xf32>,
      %get3A_257 = vector.shape_cast %get3A_256 : vector<1x1x16xf32> to vector<16xf32>
      %add3A_258 = arith.addf %add3A_250, %get3A_257 : vector<16xf32>
      %swap3A = arith.index_cast %mul3A_224 : i32 to index
      %swap3A_259 = tpu.vector_load %arg11[%swap3A] {strides = array<i32>} : memref<128xf32, #tpu.memory_space<vmem>>, vector<16xf32>,
      %swap3A_260 = vector.shape_cast %swap3A_259 : vector<16xf32> to vector<16xf32>
      %swap3A_261 = vector.shape_cast %add3A_258 : vector<16xf32> to vector<16xf32>
      tpu.vector_store %arg11[%swap3A], %swap3A_261 {strides = array<i32>} : memref<128xf32, #tpu.memory_space<vmem>>, vector<16xf32>,
    }
    %scan3A_213 = arith.constant 8 : i32
    %mul3A_214 = arith.constant 128 : i32
    %mul3A_215 = arith.muli %add3A_187, %mul3A_214 : i32
    %dma_start3A_216 = tpu.memref_slice %arg5[%mul3A_215] : memref<16384xf32, #tpu.memory_space<hbm>> -> memref<128xf32, #tpu.memory_space<hbm>>
    %dma_start3A_217 = tpu.memref_slice %arg5[%mul3A_215] : memref<16384xf32, #tpu.memory_space<hbm>> -> memref<128xf32, #tpu.memory_space<hbm>>
    tpu.enqueue_dma source(%arg11 : memref<128xf32, #tpu.memory_space<vmem>>) target(%dma_start3A_217 : memref<128xf32, #tpu.memory_space<hbm>>) target_semaphore(%arg18 : memref<!tpu.dma_semaphore, #tpu.memory_space<semaphore_mem>>)
    %dma_wait3A_218 = tpu.memref_slice %arg5[%mul3A_181] : memref<16384xf32, #tpu.memory_space<hbm>> -> memref<128xf32, #tpu.memory_space<hbm>>
    %dma_wait3A_219 = tpu.memref_slice %arg5[%mul3A_181] : memref<16384xf32, #tpu.memory_space<hbm>> -> memref<128xf32, #tpu.memory_space<hbm>>
    tpu.wait_dma2 semaphore(%arg17 : memref<!tpu.dma_semaphore, #tpu.memory_space<semaphore_mem>>) src(%arg10 : memref<128xf32, #tpu.memory_space<vmem>>) dst(%dma_wait3A_219 : memref<128xf32, #tpu.memory_space<hbm>>)
    %dma_wait3A_220 = tpu.memref_slice %arg5[%mul3A_215] : memref<16384xf32, #tpu.memory_space<hbm>> -> memref<128xf32, #tpu.memory_space<hbm>>
    %dma_wait3A_221 = tpu.memref_slice %arg5[%mul3A_215] : memref<16384xf32, #tpu.memory_space<hbm>> -> memref<128xf32, #tpu.memory_space<hbm>>
    tpu.wait_dma2 semaphore(%arg18 : memref<!tpu.dma_semaphore, #tpu.memory_space<semaphore_mem>>) src(%arg11 : memref<128xf32, #tpu.memory_space<vmem>>) dst(%dma_wait3A_221 : memref<128xf32, #tpu.memory_space<hbm>>)
    return
  }
}

</mosaic_0001>

<sc_bundles>
// kernel: kernel.3.cloned.1.call-start
scs
__scs_entry_jumppad:
0x0: {  	(pc) =	sbr.rel $0x88, $3  }
0x1: {  	(tag) =	ssettag $0x0;
	lr =	simm.s32 $0x1  }
0x2: {  	[smem:$0x3F9E] =	sst lr;
	_ =	strace $0xD0000000  }
0x3: {  	_ = 	snop  }
0x4: {  	_ = 	snop  }
0x5: {  	_ = 	snop  }
0x6: {  	_ = 	snop  }
0x7: {  	_ = 	snop  }
__scs_overlays_trampoline_lowered:
0x8: {  	[smem:$0x3FAD] =	sst s0  }
0x9: {  	[smem:$0x3FAE] =	sst s1  }
0xa: {  	[smem:$0x3FAF] =	sst s2  }
0xb: {  	[smem:$0x3FB0] =	sst s3  }
0xc: {  	[smem:$0x3FB1] =	sst s4  }
0xd: {  	[smem:$0x3FB2] =	sst s5  }
0xe: {  	[smem:$0x3FB3] =	sst s6  }
0xf: {  	[smem:$0x3FB4] =	sst s7  }
0x10: {  	[smem:$0x3FB5] =	sst s8  }
0x11: {  	[smem:$0x3FB6] =	sst s9;
	s0 =	simm.s32 @!p0 $0x0  }
0x12: {  	s1 =	sld [smem:$0x3F9C];
	s0 =	simm.s32 @p0 $0x1  }
0x13: {  	[smem:$0x3FB7] =	sst s0;
	s0 =	simm.s32 @!p1 $0x0  }
0x14: {  	s2 =	sld [smem:$0x3F9B];
	s0 =	simm.s32 @p1 $0x1  }
0x15: {  	[smem:$0x3FB8] =	sst s0;
	s0 =	simm.s32 @!p2 $0x0  }
0x16: {  	s3 =	sld [smem:$0x3FDB];
	s0 =	simm.s32 @p2 $0x1  }
0x17: {  	s4 =	simm.s32 $0x1BF5;
	[smem:$0x3FBA] =	sst s0  }
0x18: {  	s0 =	sld [smem:$0x3F9D];
	_ =	swait.ge [sflag:s4], $0x0  }
0x19: {  	s7 =	sld [smem:$0x3F9E]  }
0x1a: {  	s8 =	sadd.s32 $0xFFFFE003, lr  }
0x1b: {  	s9 =	sadd.s32 $0xFFFFFEF7, lr;
	s5 =	simm.s32 $0xFFFFFFFF;
	p2 =	slt.u32 s8, $0xFFFFF086  }
0x1c: {  	p1 =	slt.u32 s9, $0xF7A;
	s5 =	simm.s32 @!p2 $0x0  }
0x1d: {  	s5 =	simm.s32 @p1 $0x1;
	p0 =	seq.s32 s7, s2  }
0x1e: {  	s7 =	smul.u32 @!p0 $0xF7A, s2;
	p2 =	seq.s32 @!p0 s5, $0x0  }
0x1f: {  	s9 =	smul.u32 $0xF7A, s1;
	s8 =	simm.s32 @!p0 $0x1BF5;
	p2 =	por !p2, p0  }
0x20: {  	[sflag:s8] =	ssyncset.s32 @!p0 $0xFFFFF086;
	s6 =	sadd.s32 @!p0 s3, s7;
	s7 =	simm.s32 @!p0 $0x108  }
0x21: {  	s3 =	sadd.s32 s3, s9;
	s6 =	sadd.s32 @!p0 $0x88, s6;
	s7 =	simm.s32 @p2 $0x1082  }
0x22: {  	[simem:s7], [sflag:s8] =	dma.local @!p0 [hbm:s6], $0xF7A  }
0x23: {  	s9 =	sor.u32 $0xD0000000, s2;
	s6 =	simm.s32 $0x108;
	_ =	swait.ge @!p0 [sflag:s8], $0x0  }
0x24: {  	s3 =	sadd.s32 $0x88, s3;
	s6 =	simm.s32 @!p1 $0x1082;
	[sflag:s4] =	ssyncset.s32 $0xFFFFF086  }
0x25: {  	[simem:s6], [sflag:s4] =	dma.local [hbm:s3], $0xF7A  }
0x26: {  	[smem:$0x3F9E] =	sst s1;
	(tag) =	ssettag s2;
	_ =	strace s9  }
0x27: {  	s1 =	sld [smem:$0x3FAE]  }
0x28: {  	s2 =	sld [smem:$0x3FAF]  }
0x29: {  	s4 =	sld [smem:$0x3FB1]  }
0x2a: {  	p0 =	seq.s32 s5, $0x0;
	s5 =	sld [smem:$0x3FB2]  }
0x2b: {  	s6 =	sld [smem:$0x3FB3]  }
0x2c: {  	s7 =	sld [smem:$0x3FB4]  }
0x2d: {  	s3 =	simm.s32 $0x108;
	s8 =	sld [smem:$0x3FB5]  }
0x2e: {  	s3 =	simm.s32 @!p0 $0x1082;
	s9 =	sld [smem:$0x3FB6]  }
0x2f: {  	lr =	sadd.s32 s0, s3;
	s0 =	sld [smem:$0x3FAD]  }
0x30: {  	s3 =	sld [smem:$0x3FB0]  }
0x31: {  	[smem:$0x3FB9] =	sst s10  }
0x32: {  	s10 =	sld [smem:$0x3FB7];
	_ =	sdelay $0x3  }
0x33: {  	p0 =	seq.s32 s10, $0x1;
	s10 =	sld [smem:$0x3FB9];
	_ =	sdelay $0x3  }
0x34: {  	[smem:$0x3FB9] =	sst s10  }
0x35: {  	s10 =	sld [smem:$0x3FB8];
	_ =	sdelay $0x3  }
0x36: {  	p1 =	seq.s32 s10, $0x1;
	s10 =	sld [smem:$0x3FB9];
	_ =	sdelay $0x3  }
0x37: {  	[smem:$0x3FB9] =	sst s10  }
0x38: {  	s10 =	sld [smem:$0x3FBA]  }
0x39: {  	_ = 	snop;
	(pc) =	sbr.ind lr, $3  }
0x3a: {  	_ = 	snop  }
0x3b: {  	_ = 	snop  }
0x3c: {  	p2 =	seq.s32 s10, $0x1;
	s10 =	sld [smem:$0x3FB9]  }
0x3d: {  	_ =	shalt  }
0x3e: {  	_ =	shalt  }
0x3f: {  	_ =	shalt  }
0x40: {  	_ =	shalt  }
0x41: {  	_ =	shalt  }
0x42: {  	_ =	shalt  }
0x43: {  	_ =	shalt  }
0x44: {  	_ =	shalt  }
0x45: {  	_ =	shalt  }
0x46: {  	_ =	shalt  }
0x47: {  	_ =	shalt  }
0x48: {  	_ =	shalt  }
0x49: {  	_ =	shalt  }
0x4a: {  	_ =	shalt  }
0x4b: {  	_ =	shalt  }
0x4c: {  	_ =	shalt  }
0x4d: {  	_ =	shalt  }
0x4e: {  	_ =	shalt  }
0x4f: {  	_ =	shalt  }
0x50: {  	_ =	shalt  }
0x51: {  	_ =	shalt  }
0x52: {  	_ =	shalt  }
0x53: {  	_ =	shalt  }
0x54: {  	_ =	shalt  }
0x55: {  	_ =	shalt  }
0x56: {  	_ =	shalt  }
0x57: {  	_ =	shalt  }
0x58: {  	_ =	shalt  }
0x59: {  	_ =	shalt  }
0x5a: {  	_ =	shalt  }
0x5b: {  	_ =	shalt  }
0x5c: {  	_ =	shalt  }
0x5d: {  	_ =	shalt  }
0x5e: {  	_ =	shalt  }
0x5f: {  	_ =	shalt  }
0x60: {  	_ =	shalt  }
0x61: {  	_ =	shalt  }
0x62: {  	_ =	shalt  }
0x63: {  	_ =	shalt  }
0x64: {  	_ =	shalt  }
0x65: {  	_ =	shalt  }
0x66: {  	_ =	shalt  }
0x67: {  	_ =	shalt  }
0x68: {  	_ =	shalt  }
0x69: {  	_ =	shalt  }
0x6a: {  	_ =	shalt  }
0x6b: {  	_ =	shalt  }
0x6c: {  	_ =	shalt  }
0x6d: {  	_ =	shalt  }
0x6e: {  	_ =	shalt  }
0x6f: {  	_ =	shalt  }
0x70: {  	_ =	shalt  }
0x71: {  	_ =	shalt  }
0x72: {  	_ =	shalt  }
0x73: {  	_ =	shalt  }
0x74: {  	_ =	shalt  }
0x75: {  	_ =	shalt  }
0x76: {  	_ =	shalt  }
0x77: {  	_ =	shalt  }
0x78: {  	_ =	shalt  }
0x79: {  	_ =	shalt  }
0x7a: {  	_ =	shalt  }
0x7b: {  	_ =	shalt  }
0x7c: {  	_ =	shalt  }
0x7d: {  	_ =	shalt  }
0x7e: {  	_ =	shalt  }
0x7f: {  	_ =	shalt  }
0x80: {  	_ =	shalt  }
0x81: {  	_ =	shalt  }
0x82: {  	_ =	shalt  }
0x83: {  	_ =	shalt  }
0x84: {  	_ =	shalt  }
0x85: {  	_ =	shalt  }
0x86: {  	_ =	shalt  }
0x87: {  	_ =	shalt  }
.Lfunc_end0:
.L_simem_size_0:
called_computation_lowered:
.L_overlay_start_0:
0x88: {  	s2 =	sld [smem:$0x3FD9]  }
0x89: {  	s3 =	sld [smem:$0x3FFE];
	_ =	sdelay $0x1  }
0x8a: {  	s1 =	srdreg.scid  }
0x8b: {  	s0 =	sand.u32 $0x1, s1  }
0x8c: {  	s17 =	sshll.u32 s0, $0xA;
	s2 =	sadd.s32 s3, s2  }
0x8d: {  	s2 =	sadd.s32 s2, s17  }
0x8e: {  	[smem:$0x3FC5] =	sst s2  }
0x8f: {  	_ = 	snop  }
0x90: {  	s2 =	sld [smem:$0x3FC9]  }
0x91: {  	s18 =	sld [smem:$0x3FC8]  }
0x92: {  	s4 =	sld [smem:$0x3FD0];
	(tm) =	ssettm $0x1  }
0x93: {  	s5 =	sld [smem:$0x3FFB];
	_ =	sdelay $0x3  }
0x94: {  	_ =	strace s5  }
0x95: {  	s5 =	sld [smem:$0x3FFC];
	_ =	sdelay $0x3  }
0x96: {  	_ =	strace s5  }
0x97: {  	s5 =	sld [smem:$0x3FFD];
	_ =	sdelay $0x3  }
0x98: {  	_ =	strace s5  }
0x99: {  	_ =	strace $0x8FFFFFFF  }
0x9a: {  	s19 =	sld [smem:$0x3FDB];
	_ =	sdelay $0x1  }
0x9b: {  	s6 =	simm.s32 $_scs_section_size  }
0x9c: {  	s7 =	simm.s32 $_size__tile_overlayer_lowered;
	s8 =	simm.s32 $_tile_overlayer_lowered  }
0x9d: {  	s22 =	simm.s32 $0x1BFF;
	s21 =	sshll.u32 s8, $0x1;
	s5 =	sadd.s32 s6, s19  }
0x9e: {  	s9 =	simm.s32 $0x0;
	s20 =	sshll.u32 s7, $0x1;
	s7 =	sadd.s32 s21, s5  }
0x9f: {  	[timem:s9], [sflag:s22] =	dma.local [hbm:s7], s20  }
0xa0: {  	_ =	swait.ge [sflag:s22], s20  }
0xa1: {  	s6 =	ssub.s32 $0x0, s20;
	[sflag:s22] =	ssyncset.done $0x0  }
0xa2: {  	[sflag:s22] =	ssyncadd.s32 s6;
	_ =	sdelay $0x1  }
0xa3: {  	s23 =	simm.s32 $0x1B8B  }
0xa4: {  	_ =	swait.ge [sflag:s23], $0x1  }
0xa5: {  	[sflag:s23] =	ssyncset.done $0x0  }
0xa6: {  	s25 =	simm.s32 $0x1B8E;
	s24 =	sld [smem:$0x3FFE];
	[sflag:s23] =	ssyncadd.s32 $0xFFFFFFFF  }
0xa7: {  	s26 =	simm.s32 $execute0_lowered;
	[smem:$0x3FD2] =	sst s25  }
0xa8: {  	s7 =	sshll.u32 s26, $0x1;
	_ =	strace $0x80000046;
	[dreg:$0x1] =	wrdreg $0xFFFFFFFF  }
0xa9: {  	s28 =	simm.s32 $_size_execute0_lowered;
	s5 =	sadd.s32 s5, s7;
	[dreg:$0x0] =	wrdreg $0x0  }
0xaa: {  	s7 =	sshll.u32 s28, $0x1;
	[dreg:$0x2] =	wrdreg s5  }
0xab: {  	[dreg:$0x3] =	wrdreg s7  }
0xac: {  	[dreg:$0x4] =	wrdreg $0xC0  }
0xad: {  	_ =	task [dreg:s9], $0x5FFFF  }
0xae: {  	[dreg:$0x1] =	wrdreg $0xFFFFFFFF  }
0xaf: {  	[dreg:$0x0] =	wrdreg $0x60  }
0xb0: {  	[dreg:$0x2] =	wrdreg s18  }
0xb1: {  	[dreg:$0x3] =	wrdreg s2  }
0xb2: {  	[dreg:$0x4] =	wrdreg s24  }
0xb3: {  	[dreg:$0x5] =	wrdreg s4  }
0xb4: {  	[dreg:$0x6] =	wrdreg $0x9  }
0xb5: {  	_ =	task.clear_ibuf [dreg:s9], $0x7FFFF;
	_ =	strace $0x90000046  }
0xb6: {  	s29 =	simm.s32 $0x9;
	_ =	strace $0x80000048  }
0xb7: {  	_ =	swait.ge [sflag:s29], $0x1  }
0xb8: {  	[sflag:s29] =	ssyncadd.s32 $0xFFFFFFFF  }
0xb9: {  	_ =	strace $0x90000048  }
0xba: {  	_ =	sfence  }
0xbb: {  	s30 =	sld [smem:$0x0];
	_ =	sdelay $0x2  }
0xbc: {  	s31 =	sshll.u32 s1, $0xD;
	s1 =	sshrl.u32 s1, $0x2  }
0xbd: {  	s3 =	sand.u32 $0x4000, s31;
	s1 =	sadd.s32 s1, s30  }
0xbe: {  	s0 =	sor.u32 s3, s0;
	s1 =	sshll.u32 s1, $0x11  }
0xbf: {  	s0 =	sor.u32 s1, s0  }
0xc0: {  	s0 =	sadd.s32 $0x8F2B, s0  }
0xc1: {  	[sflag:s0] =	ssyncadd.remote.s32 $0x1  }
0xc2: {  	_ =	sfence.sel $0xFFFF  }
0xc3: {  	[dreg:$0x0] =	wrdreg $0xFFFFFFFF;
	(pc) =	sbr.abs _section_cstart, $3  }
0xc4: {  	[dreg:$0x1] =	wrdreg $0xFFFFFFFF  }
0xc5: {  	_ =	task.clear_ibuf [dreg:s9], $0x2FFFF;
	_ =	strace $0x9FFFFFFF  }
0xc6: {  	(tm) =	ssettm $0x7FFFFFFF  }
0xc7: {  	_ =	shalt  }
tec
execute0_lowered:
.L_overlay_start_1:
0x0: {  	(tag) =	ssettag $0x1  }
0x1: {  	s11 =	rddreg [dreg:$0x0]  }
0x2: {  	s12 =	rddreg [dreg:$0x1]  }
0x3: {  	s3 =	rddreg [dreg:$0x2]  }
0x4: {  	s14 =	rddreg [dreg:$0x3]  }
0x5: {  	s2 =	simm.s32 $0x0;
	s4 =	srdreg.scid;
	s1 =	stileid.u32  }
0x6: {  	s28 =	simm.s32 $0x4;
	s29 =	simm.s32 $0x10480;
	s30 =	simm.s32 $0x5  }
0x7: {  	s31 =	simm.s32 $0x6;
	[smem:$0x7FF] =	sst s2;
	s4 =	sand.u32 $0x1, s4  }
0x8: {  	s5 =	sshll.u32 s1, $0x1;
	s3 =	sadd.s32 $0x400, s3;
	_ =	strace $0x80000047  }
0x9: {  	s6 =	ssub.s32 $0x2, s4;
	s9 =	sor.u32 s4, s5;
	[dreg:$0x5] =	wrdreg s3  }
0xa: {  	s18 =	sshrl.u32 s6, $0x1;
	s7 =	sshll.u32 s9, $0x2;
	s19 =	sshll.u32 s9, $0x9  }
0xb: {  	s20 =	sshll.u32 s9, $0x8;
	s8 =	sshll.u32 s9, $0x6;
	s17 =	sshllo.u32 s9, $0x2  }
0xc: {  	s15 =	ssub.s32 s6, s18;
	s10 =	sor.u32 $0x1, s7;
	s3 =	sadd.s32 s11, s19  }
0xd: {  	s4 =	sadd.s32 s12, s20;
	s13 =	sor.u32 $0x2, s7;
	s7 =	sadd.s32 s14, s8  }
0xe: {  	s24 =	sshll.u32 s17, $0x7;
	s25 =	sshll.u32 s17, $0x6;
	s26 =	sshll.u32 s17, $0x4  }
0xf: {  	s17 =	simm.s32 $0x7;
	s18 =	simm.s32 $0x400;
	s19 =	simm.s32 $0x20000  }
0x10: {  	s20 =	simm.s32 $0x10000;
	s21 =	sshll.u32 s10, $0x7;
	s22 =	sshll.u32 s10, $0x6  }
0x11: {  	s23 =	sshll.u32 s13, $0x7;
	s16 =	sshll.u32 s13, $0x6;
	s10 =	sshll.u32 s10, $0x4  }
0x12: {  	s13 =	sshll.u32 s13, $0x4;
	s15 =	smax.u32 s15, $0x1;
	s5 =	sadd.s32 s11, s21  }
0x13: {  	s6 =	sadd.s32 s12, s22;
	s8 =	sadd.s32 s11, s23;
	s9 =	sadd.s32 s12, s16  }
0x14: {  	s10 =	sadd.s32 s14, s10;
	s11 =	sadd.s32 s11, s24;
	s12 =	sadd.s32 s12, s25  }
0x15: {  	s13 =	sadd.s32 s14, s13;
	s14 =	sadd.s32 s14, s26;
	s16 =	simm.s32 $0x10500  }
0x16: {  	s21 =	simm.s32 $0x8000;
	s22 =	simm.s32 $0x10200;
	s23 =	simm.s32 $0x1  }
0x17: {  	s24 =	simm.s32 $0x3;
	s25 =	simm.s32 $0x10400;
	s26 =	simm.s32 $0x2  }
.LBB2_1:
0x18: {  	s0 =	rddreg [dreg:$0x5]  }
0x19: {  	[tilespmem:s16], [sflag:$0x7] =	stream.linear.gather [hbm4b:s0+s2], $0x80, $0x38;
	[tilespmem:$0x10580] =	vst v63  }
0x1a: {  	_ =	swait.ge [sflag:s17], $0x80  }
0x1b: {  	[sflag:s17] =	ssyncset.done $0x0  }
0x1c: {  	[sflag:s17] =	ssyncadd.s32 $0xFFFFFF80  }
0x1d: {  	[tilespmem:s2], [sflag:$0x1] =	stream.strided.gather [hbm4b:s3+s18], $0x8000, s19, s18, $0x38;
	[tilespmem:$0x10580] =	vst v63  }
0x1e: {  	_ = 	snop  }
0x1f: {  	[tilespmem:s20], [sflag:$0x3] =	stream.linear.gather [hbm4b:s4+s2], $0x200, $0x38;
	[tilespmem:$0x10580] =	vst v63  }
0x20: {  	_ = 	snop  }
0x21: {  	[tilespmem:s21], [sflag:$0x2] =	stream.strided.gather [hbm4b:s5+s18], $0x8000, s19, s18, $0x38;
	[tilespmem:$0x10580] =	vst v63  }
0x22: {  	_ = 	snop  }
0x23: {  	[tilespmem:s22], [sflag:$0x4] =	stream.linear.gather [hbm4b:s6+s2], $0x200, $0x38;
	[tilespmem:$0x10580] =	vst v63  }
0x24: {  	_ =	swait.ge [sflag:s23], $0x8000  }
0x25: {  	[sflag:s23] =	ssyncset.done $0x0  }
0x26: {  	[sflag:s23] =	ssyncadd.s32 $0xFFFF8000  }
0x27: {  	_ =	swait.ge [sflag:s24], $0x200  }
0x28: {  	[sflag:s24] =	ssyncset.done $0x0  }
0x29: {  	[sflag:s24] =	ssyncadd.s32 $0xFFFFFE00  }
0x2a: {  	v0 =	vld [tilespmem:$0x10000]  }
0x2b: {  	v1 =	vld [tilespmem:$0x10080]  }
0x2c: {  	v2 =	vld [tilespmem:$0x10100]  }
0x2d: {  	v3 =	vld [tilespmem:$0x10180]  }
0x2e: {  	v4 =	vld [tilespmem:$0x10500]  }
0x2f: {  	v5 =	vld [tilespmem:$0x0]  }
0x30: {  	v6 =	vld [tilespmem:$0x10010]  }
0x31: {  	v7 =	vld [tilespmem:$0x10090]  }
0x32: {  	v8 =	vld [tilespmem:$0x10110]  }
0x33: {  	v9 =	vld [tilespmem:$0x10190]  }
0x34: {  	v10 =	vld [tilespmem:$0x10500]  }
0x35: {  	v11 =	vld [tilespmem:$0x10]  }
0x36: {  	v12 =	vld [tilespmem:$0x10020]  }
0x37: {  	v13 =	vld [tilespmem:$0x100A0]  }
0x38: {  	v14 =	vld [tilespmem:$0x10120]  }
0x39: {  	v15 =	vld [tilespmem:$0x101A0]  }
0x3a: {  	v16 =	vld [tilespmem:$0x10500]  }
0x3b: {  	v17 =	vld [tilespmem:$0x20]  }
0x3c: {  	v18 =	vld [tilespmem:$0x10030]  }
0x3d: {  	v19 =	vld [tilespmem:$0x100B0]  }
0x3e: {  	v20 =	vld [tilespmem:$0x10130]  }
0x3f: {  	v21 =	vld [tilespmem:$0x101B0]  }
0x40: {  	v24 =	vld [tilespmem:$0x10040]  }
0x41: {  	v25 =	vld [tilespmem:$0x100C0]  }
0x42: {  	v26 =	vld [tilespmem:$0x10140]  }
0x43: {  	v27 =	vld [tilespmem:$0x101C0]  }
0x44: {  	v30 =	vld [tilespmem:$0x10050]  }
0x45: {  	v56 =	vld [tilespmem:$0x100D0]  }
0x46: {  	v59 =	vld [tilespmem:$0x10150]  }
0x47: {  	v60 =	vld [tilespmem:$0x101D0]  }
0x48: {  	v62 =	vld [tilespmem:$0x10060]  }
0x49: {  	v32 =	vld [tilespmem:$0x100E0]  }
0x4a: {  	v40 =	vld [tilespmem:$0x10170];
	v0 =	vadd.f32 v1, v0;
	v55 =	vadd.f32 v3, v2  }
0x4b: {  	v43 =	vld [tilespmem:$0x101F0];
	v57 =	vadd.f32 v7, v6;
	v58 =	vadd.f32 v9, v8  }
0x4c: {  	v22 =	vld [tilespmem:$0x10500];
	v63 =	vadd.f32 v13, v12;
	v31 =	vadd.f32 v15, v14  }
0x4d: {  	v23 =	vld [tilespmem:$0x30];
	v33 =	vadd.f32 v19, v18;
	v34 =	vadd.f32 v21, v20  }
0x4e: {  	v28 =	vld [tilespmem:$0x10500];
	v41 =	vadd.f32 v25, v24;
	v42 =	vadd.f32 v27, v26  }
0x4f: {  	v35 =	vld [tilespmem:$0x10160];
	v2 =	vadd.f32 v56, v30;
	v7 =	vadd.f32 v60, v59  }
0x50: {  	v36 =	vld [tilespmem:$0x101E0];
	v3 =	vadd.f32 v32, v62;
	v49 =	vadd.f32 v43, v40  }
0x51: {  	v38 =	vld [tilespmem:$0x10070];
	v0 =	vadd.f32 v55, v0;
	v61 =	vadd.f32 v58, v57  }
0x52: {  	v44 =	vld [tilespmem:$0x10500];
	v6 =	vadd.f32 v31, v63;
	v37 =	vadd.f32 v34, v33  }
0x53: {  	v39 =	vld [tilespmem:$0x100F0];
	v13 =	vadd.f32 v42, v41;
	v2 =	vadd.f32 v7, v2  }
0x54: {  	v29 =	vld [tilespmem:$0x40];
	v0 =	vadd.f32 v0, v4;
	v1 =	vadd.f32 v61, v10  }
0x55: {  	v45 =	vld [tilespmem:$0x50];
	v6 =	vadd.f32 v6, v16;
	v9 =	vadd.f32 v37, v22  }
0x56: {  	v46 =	vld [tilespmem:$0x10500];
	v4 =	vadd.f32 v36, v35;
	v50 =	vadd.f32 v13, v28  }
0x57: {  	v47 =	vld [tilespmem:$0x10500];
	v52 =	vadd.f32 v2, v44;
	v0 =	vadd.f32 v0, v5  }
0x58: {  	v48 =	vld [tilespmem:$0x60];
	v1 =	vadd.f32 v1, v11;
	v5 =	vadd.f32 v39, v38  }
0x59: {  	v51 =	vld [tilespmem:$0x70];
	v6 =	vadd.f32 v6, v17;
	v3 =	vadd.f32 v4, v3;
	[tilespmem:$0x10400] =	vst v0  }
0x5a: {  	v9 =	vadd.f32 v9, v23;
	[tilespmem:$0x10410] =	vst v1;
	v53 =	vadd.f32 v49, v5  }
0x5b: {  	[tilespmem:$0x10420] =	vst v6;
	v0 =	vadd.f32 v50, v29;
	v3 =	vadd.f32 v3, v46  }
0x5c: {  	[tilespmem:$0x10430] =	vst v9;
	v1 =	vadd.f32 v52, v45;
	v2 =	vadd.f32 v53, v47  }
0x5d: {  	[tilespmem:$0x10440] =	vst v0;
	v54 =	vadd.f32 v3, v48  }
0x5e: {  	[tilespmem:$0x10450] =	vst v1;
	v55 =	vadd.f32 v2, v51  }
0x5f: {  	[tilespmem:$0x10460] =	vst v54  }
0x60: {  	[tilespmem:$0x10470] =	vst v55  }
0x61: {  	[hbm4b:s7+s2] =	stream.linear.scatter [tilespmem:s25], [sflag:$0x5], $0x80, $0x38;
	[tilespmem:$0x10580] =	vst v63  }
0x62: {  	_ = 	snop  }
0x63: {  	[tilespmem:s2], [sflag:$0x1] =	stream.strided.gather [hbm4b:s8+s18], $0x8000, s19, s18, $0x38;
	[tilespmem:$0x10580] =	vst v63  }
0x64: {  	_ = 	snop  }
0x65: {  	[tilespmem:s20], [sflag:$0x3] =	stream.linear.gather [hbm4b:s9+s2], $0x200, $0x38;
	[tilespmem:$0x10580] =	vst v63  }
0x66: {  	_ =	swait.ge [sflag:s26], $0x8000  }
0x67: {  	[sflag:s26] =	ssyncset.done $0x0  }
0x68: {  	[sflag:s26] =	ssyncadd.s32 $0xFFFF8000  }
0x69: {  	_ =	swait.ge [sflag:s28], $0x200  }
0x6a: {  	[sflag:s28] =	ssyncset.done $0x0  }
0x6b: {  	[sflag:s28] =	ssyncadd.s32 $0xFFFFFE00  }
0x6c: {  	v56 =	vld [tilespmem:$0x10200]  }
0x6d: {  	v57 =	vld [tilespmem:$0x10280]  }
0x6e: {  	v58 =	vld [tilespmem:$0x10300]  }
0x6f: {  	v59 =	vld [tilespmem:$0x10380]  }
0x70: {  	v4 =	vld [tilespmem:$0x10500]  }
0x71: {  	v5 =	vld [tilespmem:$0x8000]  }
0x72: {  	v60 =	vld [tilespmem:$0x10210]  }
0x73: {  	v61 =	vld [tilespmem:$0x10290]  }
0x74: {  	v62 =	vld [tilespmem:$0x10310]  }
0x75: {  	v63 =	vld [tilespmem:$0x10390]  }
0x76: {  	v10 =	vld [tilespmem:$0x10500]  }
0x77: {  	v33 =	vld [tilespmem:$0x8010]  }
0x78: {  	v34 =	vld [tilespmem:$0x10220]  }
0x79: {  	v35 =	vld [tilespmem:$0x102A0]  }
0x7a: {  	v36 =	vld [tilespmem:$0x10320]  }
0x7b: {  	v37 =	vld [tilespmem:$0x103A0]  }
0x7c: {  	v38 =	vld [tilespmem:$0x10500]  }
0x7d: {  	v39 =	vld [tilespmem:$0x8020]  }
0x7e: {  	v40 =	vld [tilespmem:$0x10230]  }
0x7f: {  	v41 =	vld [tilespmem:$0x102B0]  }
0x80: {  	v42 =	vld [tilespmem:$0x10330]  }
0x81: {  	v43 =	vld [tilespmem:$0x103B0]  }
0x82: {  	v44 =	vld [tilespmem:$0x10500]  }
0x83: {  	v45 =	vld [tilespmem:$0x8030]  }
0x84: {  	v46 =	vld [tilespmem:$0x10240]  }
0x85: {  	v47 =	vld [tilespmem:$0x102C0]  }
0x86: {  	v48 =	vld [tilespmem:$0x10340]  }
0x87: {  	v49 =	vld [tilespmem:$0x103C0]  }
0x88: {  	v50 =	vld [tilespmem:$0x10500]  }
0x89: {  	v51 =	vld [tilespmem:$0x8040]  }
0x8a: {  	v52 =	vld [tilespmem:$0x10250]  }
0x8b: {  	v54 =	vld [tilespmem:$0x102D0]  }
0x8c: {  	v20 =	vld [tilespmem:$0x10360];
	v0 =	vadd.f32 v57, v56;
	v53 =	vadd.f32 v59, v58  }
0x8d: {  	v21 =	vld [tilespmem:$0x103E0];
	v55 =	vadd.f32 v61, v60;
	v56 =	vadd.f32 v63, v62  }
0x8e: {  	v57 =	vld [tilespmem:$0x10350];
	v61 =	vadd.f32 v35, v34;
	v62 =	vadd.f32 v37, v36  }
0x8f: {  	v58 =	vld [tilespmem:$0x103D0];
	v18 =	vadd.f32 v41, v40;
	v19 =	vadd.f32 v43, v42  }
0x90: {  	v60 =	vld [tilespmem:$0x10260];
	v35 =	vadd.f32 v47, v46;
	v36 =	vadd.f32 v49, v48  }
0x91: {  	v63 =	vld [tilespmem:$0x102E0];
	v2 =	vadd.f32 v54, v52;
	v59 =	vadd.f32 v56, v55  }
0x92: {  	v34 =	vld [tilespmem:$0x10370];
	v0 =	vadd.f32 v53, v0;
	v6 =	vadd.f32 v62, v61  }
0x93: {  	v37 =	vld [tilespmem:$0x103F0];
	v31 =	vadd.f32 v19, v18;
	v1 =	vadd.f32 v59, v10  }
0x94: {  	v32 =	vld [tilespmem:$0x10270];
	v13 =	vadd.f32 v36, v35;
	v0 =	vadd.f32 v0, v4  }
0x95: {  	v6 =	vadd.f32 v6, v38;
	v1 =	vadd.f32 v1, v33;
	v33 =	vld [tilespmem:$0x102F0]  }
0x96: {  	v40 =	vld [tilespmem:$0x10500];
	v9 =	vadd.f32 v31, v44;
	v4 =	vadd.f32 v21, v20  }
0x97: {  	v38 =	vld [tilespmem:$0x10500];
	v44 =	vadd.f32 v13, v50;
	v7 =	vadd.f32 v58, v57  }
0x98: {  	v41 =	vld [tilespmem:$0x10500];
	v3 =	vadd.f32 v63, v60;
	v43 =	vadd.f32 v37, v34  }
0x99: {  	v0 =	vadd.f32 v0, v5;
	v6 =	vadd.f32 v6, v39;
	v39 =	vld [tilespmem:$0x8050]  }
0x9a: {  	v42 =	vld [tilespmem:$0x8060];
	v2 =	vadd.f32 v7, v2;
	v5 =	vadd.f32 v33, v32  }
0x9b: {  	v9 =	vadd.f32 v9, v45;
	v45 =	vld [tilespmem:$0x8070];
	v3 =	vadd.f32 v4, v3;
	[tilespmem:$0x10480] =	vst v0  }
0x9c: {  	[tilespmem:$0x10490] =	vst v1;
	v46 =	vadd.f32 v2, v38;
	v47 =	vadd.f32 v43, v5  }
0x9d: {  	[tilespmem:$0x104A0] =	vst v6;
	v0 =	vadd.f32 v44, v51;
	v3 =	vadd.f32 v3, v40  }
0x9e: {  	[tilespmem:$0x104B0] =	vst v9;
	v1 =	vadd.f32 v46, v39;
	v2 =	vadd.f32 v47, v41  }
0x9f: {  	[tilespmem:$0x104C0] =	vst v0;
	v48 =	vadd.f32 v3, v42  }
0xa0: {  	[tilespmem:$0x104D0] =	vst v1;
	v49 =	vadd.f32 v2, v45  }
0xa1: {  	[tilespmem:$0x104E0] =	vst v48  }
0xa2: {  	[tilespmem:$0x104F0] =	vst v49  }
0xa3: {  	[hbm4b:s10+s2] =	stream.linear.scatter [tilespmem:s29], [sflag:$0x6], $0x80, $0x38;
	[tilespmem:$0x10580] =	vst v63  }
0xa4: {  	_ = 	snop  }
0xa5: {  	[tilespmem:s21], [sflag:$0x2] =	stream.strided.gather [hbm4b:s11+s18], $0x8000, s19, s18, $0x38;
	[tilespmem:$0x10580] =	vst v63  }
0xa6: {  	_ = 	snop  }
0xa7: {  	[tilespmem:s22], [sflag:$0x4] =	stream.linear.gather [hbm4b:s12+s2], $0x200, $0x38;
	[tilespmem:$0x10580] =	vst v63  }
0xa8: {  	_ =	swait.ge [sflag:s23], $0x8000  }
0xa9: {  	[sflag:s23] =	ssyncset.done $0x0  }
0xaa: {  	[sflag:s23] =	ssyncadd.s32 $0xFFFF8000  }
0xab: {  	_ =	swait.ge [sflag:s24], $0x200  }
0xac: {  	[sflag:s24] =	ssyncset.done $0x0  }
0xad: {  	[sflag:s24] =	ssyncadd.s32 $0xFFFFFE00  }
0xae: {  	_ =	swait.ge [sflag:s30], $0x80  }
0xaf: {  	[sflag:s30] =	ssyncset.done $0x0  }
0xb0: {  	[sflag:s30] =	ssyncadd.s32 $0xFFFFFF80  }
0xb1: {  	v50 =	vld [tilespmem:$0x10000]  }
0xb2: {  	v51 =	vld [tilespmem:$0x10080]  }
0xb3: {  	v52 =	vld [tilespmem:$0x10100]  }
0xb4: {  	v53 =	vld [tilespmem:$0x10180]  }
0xb5: {  	v4 =	vld [tilespmem:$0x10500]  }
0xb6: {  	v5 =	vld [tilespmem:$0x0]  }
0xb7: {  	v54 =	vld [tilespmem:$0x10010]  }
0xb8: {  	v55 =	vld [tilespmem:$0x10090]  }
0xb9: {  	v56 =	vld [tilespmem:$0x10110]  }
0xba: {  	v57 =	vld [tilespmem:$0x10190]  }
0xbb: {  	v10 =	vld [tilespmem:$0x10500]  }
0xbc: {  	v11 =	vld [tilespmem:$0x10]  }
0xbd: {  	v58 =	vld [tilespmem:$0x10020]  }
0xbe: {  	v59 =	vld [tilespmem:$0x100A0]  }
0xbf: {  	v60 =	vld [tilespmem:$0x10120]  }
0xc0: {  	v61 =	vld [tilespmem:$0x101A0]  }
0xc1: {  	v16 =	vld [tilespmem:$0x10500]  }
0xc2: {  	v17 =	vld [tilespmem:$0x20]  }
0xc3: {  	v62 =	vld [tilespmem:$0x10030]  }
0xc4: {  	v63 =	vld [tilespmem:$0x100B0]  }
0xc5: {  	v33 =	vld [tilespmem:$0x10130]  }
0xc6: {  	v34 =	vld [tilespmem:$0x101B0]  }
0xc7: {  	v35 =	vld [tilespmem:$0x10500]  }
0xc8: {  	v36 =	vld [tilespmem:$0x30]  }
0xc9: {  	v37 =	vld [tilespmem:$0x10040]  }
0xca: {  	v38 =	vld [tilespmem:$0x100C0]  }
0xcb: {  	v39 =	vld [tilespmem:$0x10140]  }
0xcc: {  	v40 =	vld [tilespmem:$0x101C0]  }
0xcd: {  	v41 =	vld [tilespmem:$0x10500]  }
0xce: {  	v43 =	vld [tilespmem:$0x10050]  }
0xcf: {  	v45 =	vld [tilespmem:$0x100D0]  }
0xd0: {  	v48 =	vld [tilespmem:$0x10150]  }
0xd1: {  	v49 =	vld [tilespmem:$0x101D0];
	v0 =	vadd.f32 v51, v50;
	v44 =	vadd.f32 v53, v52  }
0xd2: {  	v21 =	vld [tilespmem:$0x101F0];
	v46 =	vadd.f32 v55, v54;
	v47 =	vadd.f32 v57, v56  }
0xd3: {  	v22 =	vld [tilespmem:$0x10500];
	v52 =	vadd.f32 v59, v58;
	v53 =	vadd.f32 v61, v60  }
0xd4: {  	v51 =	vld [tilespmem:$0x10060];
	v55 =	vadd.f32 v63, v62;
	v56 =	vadd.f32 v34, v33  }
0xd5: {  	v54 =	vld [tilespmem:$0x100E0];
	v63 =	vadd.f32 v38, v37;
	v20 =	vadd.f32 v40, v39  }
0xd6: {  	v57 =	vld [tilespmem:$0x10160];
	v2 =	vadd.f32 v45, v43;
	v7 =	vadd.f32 v49, v48  }
0xd7: {  	v58 =	vld [tilespmem:$0x101E0];
	v0 =	vadd.f32 v44, v0;
	v50 =	vadd.f32 v47, v46  }
0xd8: {  	v60 =	vld [tilespmem:$0x10070];
	v6 =	vadd.f32 v53, v52;
	v59 =	vadd.f32 v56, v55  }
0xd9: {  	v62 =	vld [tilespmem:$0x10170];
	v13 =	vadd.f32 v20, v63;
	v2 =	vadd.f32 v7, v2  }
0xda: {  	v61 =	vld [tilespmem:$0x100F0];
	v0 =	vadd.f32 v0, v4;
	v1 =	vadd.f32 v50, v10  }
0xdb: {  	v42 =	vld [tilespmem:$0x40];
	v6 =	vadd.f32 v6, v16;
	v9 =	vadd.f32 v59, v35  }
0xdc: {  	v24 =	vld [tilespmem:$0x50];
	v31 =	vadd.f32 v13, v41;
	v33 =	vadd.f32 v2, v22  }
0xdd: {  	v25 =	vld [tilespmem:$0x10500];
	v3 =	vadd.f32 v54, v51;
	v4 =	vadd.f32 v58, v57  }
0xde: {  	v26 =	vld [tilespmem:$0x10500];
	v30 =	vadd.f32 v21, v62;
	v0 =	vadd.f32 v0, v5  }
0xdf: {  	v27 =	vld [tilespmem:$0x60];
	v1 =	vadd.f32 v1, v11;
	v5 =	vadd.f32 v61, v60  }
0xe0: {  	v32 =	vld [tilespmem:$0x70];
	v6 =	vadd.f32 v6, v17;
	v3 =	vadd.f32 v4, v3;
	[tilespmem:$0x10400] =	vst v0  }
0xe1: {  	v9 =	vadd.f32 v9, v36;
	[tilespmem:$0x10410] =	vst v1;
	v34 =	vadd.f32 v30, v5  }
0xe2: {  	[tilespmem:$0x10420] =	vst v6;
	v0 =	vadd.f32 v31, v42;
	v3 =	vadd.f32 v3, v25  }
0xe3: {  	[tilespmem:$0x10430] =	vst v9;
	v1 =	vadd.f32 v33, v24;
	v2 =	vadd.f32 v34, v26  }
0xe4: {  	[tilespmem:$0x10440] =	vst v0;
	v35 =	vadd.f32 v3, v27  }
0xe5: {  	[tilespmem:$0x10450] =	vst v1;
	v36 =	vadd.f32 v2, v32  }
0xe6: {  	[tilespmem:$0x10460] =	vst v35  }
0xe7: {  	[tilespmem:$0x10470] =	vst v36  }
0xe8: {  	[hbm4b:s13+s2] =	stream.linear.scatter [tilespmem:s25], [sflag:$0x5], $0x80, $0x38;
	[tilespmem:$0x10580] =	vst v63  }
0xe9: {  	_ =	swait.ge [sflag:s26], $0x8000  }
0xea: {  	[sflag:s26] =	ssyncset.done $0x0  }
0xeb: {  	[sflag:s26] =	ssyncadd.s32 $0xFFFF8000  }
0xec: {  	_ =	swait.ge [sflag:s28], $0x200  }
0xed: {  	[sflag:s28] =	ssyncset.done $0x0  }
0xee: {  	[sflag:s28] =	ssyncadd.s32 $0xFFFFFE00  }
0xef: {  	_ =	swait.ge [sflag:s31], $0x80  }
0xf0: {  	[sflag:s31] =	ssyncset.done $0x0  }
0xf1: {  	[sflag:s31] =	ssyncadd.s32 $0xFFFFFF80  }
0xf2: {  	v37 =	vld [tilespmem:$0x10200]  }
0xf3: {  	v38 =	vld [tilespmem:$0x10280]  }
0xf4: {  	v39 =	vld [tilespmem:$0x10300]  }
0xf5: {  	v40 =	vld [tilespmem:$0x10380]  }
0xf6: {  	v4 =	vld [tilespmem:$0x10500]  }
0xf7: {  	v5 =	vld [tilespmem:$0x8000]  }
0xf8: {  	v41 =	vld [tilespmem:$0x10210]  }
0xf9: {  	v42 =	vld [tilespmem:$0x10290]  }
0xfa: {  	v43 =	vld [tilespmem:$0x10310]  }
0xfb: {  	v44 =	vld [tilespmem:$0x10390]  }
0xfc: {  	v45 =	vld [tilespmem:$0x10500]  }
0xfd: {  	v11 =	vld [tilespmem:$0x8010]  }
0xfe: {  	v46 =	vld [tilespmem:$0x10220]  }
0xff: {  	v47 =	vld [tilespmem:$0x102A0]  }
0x100: {  	v48 =	vld [tilespmem:$0x10320]  }
0x101: {  	v49 =	vld [tilespmem:$0x103A0]  }
0x102: {  	v50 =	vld [tilespmem:$0x10500]  }
0x103: {  	v17 =	vld [tilespmem:$0x8020]  }
0x104: {  	v51 =	vld [tilespmem:$0x10230]  }
0x105: {  	v52 =	vld [tilespmem:$0x102B0]  }
0x106: {  	v53 =	vld [tilespmem:$0x10330]  }
0x107: {  	v54 =	vld [tilespmem:$0x103B0]  }
0x108: {  	v55 =	vld [tilespmem:$0x10500]  }
0x109: {  	v56 =	vld [tilespmem:$0x8030]  }
0x10a: {  	v57 =	vld [tilespmem:$0x10240]  }
0x10b: {  	v58 =	vld [tilespmem:$0x102C0]  }
0x10c: {  	v59 =	vld [tilespmem:$0x10340]  }
0x10d: {  	v60 =	vld [tilespmem:$0x103C0]  }
0x10e: {  	v61 =	vld [tilespmem:$0x10500]  }
0x10f: {  	v62 =	vld [tilespmem:$0x10250]  }
0x110: {  	v31 =	vld [tilespmem:$0x102D0]  }
0x111: {  	v34 =	vld [tilespmem:$0x10350]  }
0x112: {  	v35 =	vld [tilespmem:$0x103D0];
	v0 =	vadd.f32 v38, v37;
	v63 =	vadd.f32 v40, v39  }
0x113: {  	v32 =	vadd.f32 v42, v41;
	v33 =	vadd.f32 v44, v43;
	v37 =	vld [tilespmem:$0x10260]  }
0x114: {  	v38 =	vadd.f32 v47, v46;
	v39 =	vadd.f32 v49, v48;
	v40 =	vld [tilespmem:$0x102E0]  }
0x115: {  	v41 =	vadd.f32 v52, v51;
	v42 =	vadd.f32 v54, v53;
	v43 =	vld [tilespmem:$0x10360]  }
0x116: {  	v44 =	vld [tilespmem:$0x103E0];
	v49 =	vadd.f32 v58, v57;
	v2 =	vadd.f32 v31, v62  }
0x117: {  	v46 =	vld [tilespmem:$0x10270];
	v7 =	vadd.f32 v35, v34;
	v0 =	vadd.f32 v63, v0  }
0x118: {  	v52 =	vld [tilespmem:$0x10500];
	v36 =	vadd.f32 v33, v32;
	v6 =	vadd.f32 v39, v38  }
0x119: {  	v47 =	vld [tilespmem:$0x102F0];
	v2 =	vadd.f32 v7, v2;
	v0 =	vadd.f32 v0, v4  }
0x11a: {  	v48 =	vld [tilespmem:$0x10370];
	v1 =	vadd.f32 v36, v45;
	v45 =	vadd.f32 v42, v41  }
0x11b: {  	v51 =	vld [tilespmem:$0x103F0];
	v6 =	vadd.f32 v6, v50;
	v50 =	vadd.f32 v60, v59  }
0x11c: {  	v29 =	vld [tilespmem:$0x8040];
	v3 =	vadd.f32 v40, v37;
	v4 =	vadd.f32 v44, v43  }
0x11d: {  	v53 =	vld [tilespmem:$0x8050];
	v60 =	vadd.f32 v2, v52;
	v0 =	vadd.f32 v0, v5  }
0x11e: {  	v54 =	vld [tilespmem:$0x10500];
	v1 =	vadd.f32 v1, v11;
	v9 =	vadd.f32 v45, v55  }
0x11f: {  	v13 =	vadd.f32 v50, v49;
	v55 =	vld [tilespmem:$0x10500];
	v5 =	vadd.f32 v47, v46  }
0x120: {  	v57 =	vld [tilespmem:$0x8060];
	v9 =	vadd.f32 v9, v56;
	v56 =	vadd.f32 v51, v48  }
0x121: {  	v59 =	vld [tilespmem:$0x8070];
	v6 =	vadd.f32 v6, v17;
	v3 =	vadd.f32 v4, v3;
	[tilespmem:$0x10480] =	vst v0  }
0x122: {  	v58 =	vadd.f32 v13, v61;
	[tilespmem:$0x10490] =	vst v1;
	v61 =	vadd.f32 v56, v5  }
0x123: {  	[tilespmem:$0x104A0] =	vst v6;
	v1 =	vadd.f32 v60, v53;
	v3 =	vadd.f32 v3, v54  }
0x124: {  	v0 =	vadd.f32 v58, v29;
	[tilespmem:$0x104B0] =	vst v9;
	v2 =	vadd.f32 v61, v55  }
0x125: {  	[tilespmem:$0x104D0] =	vst v1;
	v62 =	vadd.f32 v3, v57  }
0x126: {  	[tilespmem:$0x104C0] =	vst v0;
	v63 =	vadd.f32 v2, v59  }
0x127: {  	[tilespmem:$0x104E0] =	vst v62  }
0x128: {  	[tilespmem:$0x104F0] =	vst v63  }
0x129: {  	[hbm4b:s14+s2] =	stream.linear.scatter [tilespmem:s29], [sflag:$0x6], $0x80, $0x38;
	[tilespmem:$0x10580] =	vst v63  }
0x12a: {  	p0 =	sne.s32 s15, $0x1;
	_ =	swait.ge [sflag:s30], $0x80  }
.Ltmp0:
0x12b: {  	[sflag:s30] =	ssyncset.done $0x0;
	(pc) =	sbr.rel @p0 .LBB2_1-.Ltmp0, $4  }
0x12c: {  	[sflag:s30] =	ssyncadd.s32 $0xFFFFFF80  }
0x12d: {  	_ =	swait.ge [sflag:s31], $0x80  }
0x12e: {  	[sflag:s31] =	ssyncset.done $0x0  }
0x12f: {  	s15 =	sadd.s32 $0xFFFFFFFF, s15;
	[sflag:s31] =	ssyncadd.s32 $0xFFFFFF80  }
0x130: {  	_ =	sfence.sel $0x180000  }
0x131: {  	[bflag:$0x0] =	sbarrier.arrive $0xFFFF  }
0x132: {  	_ =	strace $0x90000047  }
0x133: {  	[bflag:$0x2] =	sbarrier.arrive $0xFFFF  }
0x134: {  	p0 =	sne.s32 s1, $0x0;
	s0 =	rddreg [dreg:$0x4]  }
0x135: {  	s0 =	sadd.s32 @!p0 $0x100000, s0  }
0x136: {  	[sflag:s0] =	ssyncadd.tile.s32 @!p0 $0x1;
	_ =	shalt  }
.Lfunc_end2:
_tile_overlayer_lowered:
.L_overlay_start_2:
0x137: {  	(tag) =	ssettag $0x2  }
0x138: {  	s0 =	rddreg [dreg:$0x0];
	s2 =	stileid.u32  }
0x139: {  	s1 =	rddreg [dreg:$0x1];
	p0 =	sne.s32 s2, $0x0  }
0x13a: {  	s3 =	rddreg [dreg:$0x2];
	[bflag:$0x3] =	sbarrier.arrive $0xFFFF;
	s2 =	simm.s32 @!p0 $0x1C07  }
0x13b: {  	[timem:s3], [sflag:s2] =	dma.local @!p0 [hbm:s0], s1  }
0x13c: {  	s0 =	simm.s32 @!p0 $0x7  }
0x13d: {  	_ =	swait.ge @!p0 [sflag:s0], s1  }
0x13e: {  	s1 =	ssub.s32 @!p0 $0x0, s1;
	[sflag:s0] =	ssyncset.done @!p0 $0x0  }
0x13f: {  	[sflag:s0] =	ssyncadd.s32 @!p0 s1  }
0x140: {  	[bflag:$0x3] =	sbarrier.arrive $0xFFFF  }
0x141: {  	_ =	shalt  }

</sc_bundles>
